<compile_context>
chip_gen: v7x
topology: tpu7x:2x2x1
jax: 0.10.2.dev20260603
libtpu: 0.0.44.dev20260713+nightly
codegen_flags: <defaults>
</compile_context>

<pallas_src>
import functools

import jax
import jax.numpy as jnp
from jax import lax
from jax.experimental import pallas as pl
from jax.experimental.pallas import tpu as pltpu
from jax.experimental.pallas import tpu_sc as plsc

D_MODEL = 768
FFN = 1024
E = 64
BT = 64


def _router_body(x_ref, rw_ref, pos_ref, starts_ref, counts_ref):
    n = x_ref.shape[0]
    x = x_ref[...]
    rw = rw_ref[...]
    logits = lax.dot_general(x, rw, (((1,), (1,)), ((), ())),
                             preferred_element_type=jnp.float32)
    ids = lax.broadcasted_iota(jnp.int32, (n, E), 1)
    m = jnp.max(logits, axis=1, keepdims=True)
    eid = jnp.min(jnp.where(logits == m, ids, E), axis=1, keepdims=True)
    P = (ids == eid).astype(jnp.float32)
    nb = n // 128
    P3 = P.reshape(nb, 128, E)
    S = jnp.sum(P3, axis=1)
    counts = jnp.sum(S, axis=0)
    ui = lax.broadcasted_iota(jnp.int32, (E, E), 0)
    uj = lax.broadcasted_iota(jnp.int32, (E, E), 1)
    U = (ui < uj).astype(jnp.float32)
    offs = lax.dot_general(counts.reshape(1, E), U, (((1,), (0,)), ((), ())),
                           preferred_element_type=jnp.float32)
    bi = lax.broadcasted_iota(jnp.int32, (nb, nb), 0)
    bj = lax.broadcasted_iota(jnp.int32, (nb, nb), 1)
    Lb = (bj < bi).astype(jnp.float32)
    prior = lax.dot_general(Lb, S, (((1,), (0,)), ((), ())),
                            preferred_element_type=jnp.float32)
    li = lax.broadcasted_iota(jnp.int32, (128, 128), 0)
    lj = lax.broadcasted_iota(jnp.int32, (128, 128), 1)
    L128 = jnp.broadcast_to(((lj <= li).astype(jnp.float32))[None],
                            (nb, 128, 128))
    C3 = lax.dot_general(L128, P3, (((2,), (1,)), ((0,), (0,))),
                         preferred_element_type=jnp.float32)
    tot = C3 + prior[:, None, :] + offs.reshape(1, 1, E)
    pos_f = jnp.sum(P3 * tot, axis=2) - 1.0
    pos_ref[...] = pos_f.reshape(n).astype(jnp.int32)
    starts_ref[...] = offs.reshape(E).astype(jnp.int32)
    counts_ref[...] = counts.astype(jnp.int32)


def _route(xf, router_w):
    n = xf.shape[0]
    return pl.pallas_call(
        _router_body,
        out_shape=(
            jax.ShapeDtypeStruct((n,), jnp.int32),
            jax.ShapeDtypeStruct((E,), jnp.int32),
            jax.ShapeDtypeStruct((E,), jnp.int32),
        ),
        compiler_params=pltpu.CompilerParams(
            vmem_limit_bytes=100 * 1024 * 1024),
    )(xf, router_w)


def _make_sc_permute(n, d, gather):
    info = plsc.get_sparse_core_info()
    nc, ns = info.num_cores, info.num_subcores
    nw = nc * ns
    assert n % (8 * nw) == 0
    chunk = n // nw
    mesh = plsc.VectorSubcoreMesh(core_axis_name="c", subcore_axis_name="s")

    half = chunk // 2

    @functools.partial(
        pl.kernel,
        out_type=jax.ShapeDtypeStruct((n, d), jnp.float32),
        mesh=mesh,
        scratch_types=[
            pltpu.VMEM((half,), jnp.int32),
            pltpu.VMEM((half,), jnp.int32),
            pltpu.VMEM((half, d), jnp.float32),
            pltpu.VMEM((half, d), jnp.float32),
            pltpu.SemaphoreType.DMA,
            pltpu.SemaphoreType.DMA,
            pltpu.SemaphoreType.DMA,
            pltpu.SemaphoreType.DMA,
        ],
    )
    def k(rows_hbm, pos_hbm, out_hbm, idx0, idx1, buf0, buf1,
          si0, si1, s0, s1):
        wid = lax.axis_index("s") * nc + lax.axis_index("c")
        base = wid * chunk
        ci0 = pltpu.async_copy(pos_hbm.at[pl.ds(base, half)], idx0, si0)
        ci1 = pltpu.async_copy(pos_hbm.at[pl.ds(base + half, half)], idx1, si1)
        if gather:
            ci0.wait()
            g0 = pltpu.async_copy(rows_hbm.at[idx0], buf0, s0)
            ci1.wait()
            g1 = pltpu.async_copy(rows_hbm.at[idx1], buf1, s1)
            g0.wait()
            w0 = pltpu.async_copy(buf0, out_hbm.at[pl.ds(base, half)], si0)
            g1.wait()
            w1 = pltpu.async_copy(buf1, out_hbm.at[pl.ds(base + half, half)],
                                  si1)
            w0.wait()
            w1.wait()
        else:
            l0 = pltpu.async_copy(rows_hbm.at[pl.ds(base, half)], buf0, s0)
            l1 = pltpu.async_copy(rows_hbm.at[pl.ds(base + half, half)],
                                  buf1, s1)
            ci0.wait()
            l0.wait()
            w0 = pltpu.async_copy(buf0, out_hbm.at[idx0], si0)
            ci1.wait()
            l1.wait()
            w1 = pltpu.async_copy(buf1, out_hbm.at[idx1], si1)
            w0.wait()
            w1.wait()

    return k


EPB = 2


def _expert_body(starts_ref, counts_ref, xs_ref, w1_ref, v1_ref,
                 w2_ref, out_ref):
    n = xs_ref.shape[0]
    g0 = pl.program_id(0)

    @pl.when(g0 == 0)
    def _init():
        out_ref[...] = jnp.zeros_like(out_ref)

    for sub in range(EPB):
        e = g0 * EPB + sub
        start = starts_ref[e]
        cnt = counts_ref[e]
        w1 = w1_ref[sub].astype(jnp.bfloat16)
        v1 = v1_ref[sub].astype(jnp.bfloat16)
        w2 = w2_ref[sub].astype(jnp.bfloat16)
        a0 = (start // 8) * 8
        end = start + cnt
        nt = (end - a0 + BT - 1) // BT

        def body(j, _, start=start, end=end, a0=a0, w1=w1, v1=v1, w2=w2):
            row0 = a0 + j * BT
            c0 = pl.multiple_of(jnp.minimum(row0, n - BT), 8)
            xt = xs_ref[pl.ds(c0, BT), :].astype(jnp.bfloat16)
            g = lax.dot_general(xt, w1, (((1,), (1,)), ((), ())),
                                preferred_element_type=jnp.float32)
            u = lax.dot_general(xt, v1, (((1,), (1,)), ((), ())),
                                preferred_element_type=jnp.float32)
            h = g * jax.nn.sigmoid(g) * u
            o = lax.dot_general(h.astype(jnp.bfloat16), w2,
                                (((1,), (1,)), ((), ())),
                                preferred_element_type=jnp.float32)
            gidx = c0 + lax.broadcasted_iota(jnp.int32, (BT, 1), 0)
            mask = (gidx >= jnp.maximum(row0, start)) & (gidx < end)
            out_ref[pl.ds(c0, BT), :] += jnp.where(mask, o, 0.0)
            return 0

        lax.fori_loop(0, nt, body, 0)


def _experts(starts, counts, x_sorted, w1, v1, w2):
    n = x_sorted.shape[0]
    return pl.pallas_call(
        _expert_body,
        grid=(E // EPB,),
        in_specs=[
            pl.BlockSpec(memory_space=pltpu.SMEM),
            pl.BlockSpec(memory_space=pltpu.SMEM),
            pl.BlockSpec((n, D_MODEL), lambda e: (0, 0)),
            pl.BlockSpec((EPB, FFN, D_MODEL), lambda e: (e, 0, 0)),
            pl.BlockSpec((EPB, FFN, D_MODEL), lambda e: (e, 0, 0)),
            pl.BlockSpec((EPB, D_MODEL, FFN), lambda e: (e, 0, 0)),
        ],
        out_specs=pl.BlockSpec((n, D_MODEL), lambda e: (0, 0)),
        out_shape=jax.ShapeDtypeStruct((n, D_MODEL), jnp.float32),
        compiler_params=pltpu.CompilerParams(
            dimension_semantics=("arbitrary",),
            vmem_limit_bytes=100 * 1024 * 1024),
    )(starts, counts, x_sorted, w1, v1, w2)


def kernel(x, router_w, w1, v1, w2):
    bsz, q_len, d = x.shape
    xf = x.reshape(-1, d)
    n = xf.shape[0]
    pos, starts, counts = _route(xf, router_w)
    x_sorted = _make_sc_permute(n, d, gather=False)(xf, pos)
    out_sorted = _experts(starts, counts, x_sorted, w1, v1, w2)
    out = _make_sc_permute(n, d, gather=True)(out_sorted, pos)
    return out.reshape(bsz, q_len, d)

# --- scband reference (transcript-rebuilt; emitter-appended) ---
"""Pipeline reference for scband-dbrx-block-53352083751571 (READ-ONLY COPY).

The authoritative reference and input builder live on the scoring server;
editing this copy changes nothing except your own understanding.
"""

import jax, jax.numpy as jnp
import numpy as np

D_MODEL = 768
FFN = 1024
E = 64
TOP_K = 1
NORM_P = 1.0


def setup_inputs(seed: int = 0) -> dict:
    key = jax.random.key(seed)
    k1, k2, k3, k4, k5 = jax.random.split(key, 5)
    x = jax.random.normal(k1, (1, 2048, D_MODEL), dtype=jnp.float32)
    router_w = jax.random.normal(k2, (E, D_MODEL), dtype=jnp.float32) * (1.0 / np.sqrt(D_MODEL))
    w1 = jax.random.normal(k3, (E, FFN, D_MODEL), dtype=jnp.float32) * (1.0 / np.sqrt(D_MODEL))
    v1 = jax.random.normal(k4, (E, FFN, D_MODEL), dtype=jnp.float32) * (1.0 / np.sqrt(D_MODEL))
    w2 = jax.random.normal(k5, (E, D_MODEL, FFN), dtype=jnp.float32) * (1.0 / np.sqrt(FFN))
    return {"x": x, "router_w": router_w, "w1": w1, "v1": v1, "w2": w2}


def reference(x, router_w, w1, v1, w2):
    bsz, q_len, hidden = x.shape
    xf = x.reshape(-1, hidden)
    n_tok = xf.shape[0]
    # Router: logits -> softmax (fp32) -> top-k -> p-norm renormalize
    logits = xf @ router_w.T
    weights = jax.nn.softmax(logits.astype(jnp.float32), axis=-1)
    top_weights, top_experts = jax.lax.top_k(weights, TOP_K)
    norm = jnp.sum(jnp.abs(top_weights) ** NORM_P, axis=-1, keepdims=True) ** (1.0 / NORM_P)
    top_weights = top_weights / norm
    # Combine per-token expert weights into dense [n_tok, E] gate matrix
    combined = jnp.zeros((n_tok, E), dtype=jnp.float32)
    for k in range(TOP_K):
        combined = combined + jax.nn.one_hot(top_experts[:, k], E, dtype=jnp.float32) * top_weights[:, k:k+1]
    # Experts: glu-style MLP per expert, gated accumulate (math-equal to index_add dispatch)
    out = jnp.zeros_like(xf)
    for e in range(E):
        h = jax.nn.silu(xf @ w1[e].T) * (xf @ v1[e].T)
        o = h @ w2[e].T
        out = out + combined[:, e:e+1] * o
    return out.reshape(bsz, q_len, hidden)

if __name__ == "__main__":
    import jax
    _d = setup_inputs()
    print(jax.jit(kernel)(*tuple(_d.values())))

</pallas_src>

<mosaic_0001>
#map = affine_map<(d0, d1) -> (0, 0)>
#map1 = affine_map<(d0, d1) -> (0)>
module attributes {stable_mosaic.version = 14 : i64} {
  func.func @k(%arg0: i32, %arg1: i32, %arg2: memref<2048x768xf32, #tpu.memory_space<hbm>>, %arg3: memref<2048xi32, #tpu.memory_space<hbm>>, %arg4: memref<2048x768xf32, #tpu.memory_space<hbm>>, %arg5: memref<32xi32, #tpu.memory_space<vmem>>, %arg6: memref<32xi32, #tpu.memory_space<vmem>>, %arg7: memref<32x768xf32, #tpu.memory_space<vmem>>, %arg8: memref<32x768xf32, #tpu.memory_space<vmem>>, %arg9: memref<!tpu.dma_semaphore, #tpu.memory_space<semaphore_mem>>, %arg10: memref<!tpu.dma_semaphore, #tpu.memory_space<semaphore_mem>>, %arg11: memref<!tpu.dma_semaphore, #tpu.memory_space<semaphore_mem>>, %arg12: memref<!tpu.dma_semaphore, #tpu.memory_space<semaphore_mem>>) attributes {dimension_semantics = [#tpu.dimension_semantics<core_parallel>, #tpu.dimension_semantics<subcore_parallel>], iteration_bounds = array<i64: 2, 16>, scalar_prefetch = 0 : i64, scratch_operands = 8 : i64, tpu.core_type = #tpu.core_type<sc_vector_subcore>, window_params = [{transform_indices = #map}, {transform_indices = #map1}, {transform_indices = #map}]} {
    %mul3A = arith.constant 2 : i32
    %mul3A_0 = arith.muli %arg1, %mul3A : i32
    %add3A = arith.addi %mul3A_0, %arg0 : i32
    %mul3A_1 = arith.constant 64 : i32
    %mul3A_2 = arith.muli %add3A, %mul3A_1 : i32
    %dma_start3A = tpu.memref_slice %arg3[%mul3A_2] : memref<2048xi32, #tpu.memory_space<hbm>> -> memref<32xi32, #tpu.memory_space<hbm>>
    %dma_start3A_3 = tpu.memref_slice %arg3[%mul3A_2] : memref<2048xi32, #tpu.memory_space<hbm>> -> memref<32xi32, #tpu.memory_space<hbm>>
    tpu.enqueue_dma source(%dma_start3A_3 : memref<32xi32, #tpu.memory_space<hbm>>) target(%arg5 : memref<32xi32, #tpu.memory_space<vmem>>) target_semaphore(%arg9 : memref<!tpu.dma_semaphore, #tpu.memory_space<semaphore_mem>>)
    %add3A_4 = arith.constant 32 : i32
    %add3A_5 = arith.addi %mul3A_2, %add3A_4 : i32
    %dma_start3A_6 = tpu.memref_slice %arg3[%add3A_5] : memref<2048xi32, #tpu.memory_space<hbm>> -> memref<32xi32, #tpu.memory_space<hbm>>
    %dma_start3A_7 = tpu.memref_slice %arg3[%add3A_5] : memref<2048xi32, #tpu.memory_space<hbm>> -> memref<32xi32, #tpu.memory_space<hbm>>
    tpu.enqueue_dma source(%dma_start3A_7 : memref<32xi32, #tpu.memory_space<hbm>>) target(%arg6 : memref<32xi32, #tpu.memory_space<vmem>>) target_semaphore(%arg10 : memref<!tpu.dma_semaphore, #tpu.memory_space<semaphore_mem>>)
    %dma_start3A_8 = arith.constant 0 : i32
    %dma_start3A_9 = tpu.memref_slice %arg2[%mul3A_2, %dma_start3A_8] : memref<2048x768xf32, #tpu.memory_space<hbm>> -> memref<32x768xf32, #tpu.memory_space<hbm>>
    %dma_start3A_10 = arith.constant 0 : i32
    %dma_start3A_11 = tpu.memref_slice %arg2[%mul3A_2, %dma_start3A_10] : memref<2048x768xf32, #tpu.memory_space<hbm>> -> memref<32x768xf32, #tpu.memory_space<hbm>>
    tpu.enqueue_dma source(%dma_start3A_11 : memref<32x768xf32, #tpu.memory_space<hbm>>) target(%arg7 : memref<32x768xf32, #tpu.memory_space<vmem>>) target_semaphore(%arg11 : memref<!tpu.dma_semaphore, #tpu.memory_space<semaphore_mem>>)
    %add3A_12 = arith.constant 32 : i32
    %add3A_13 = arith.addi %mul3A_2, %add3A_12 : i32
    %dma_start3A_14 = arith.constant 0 : i32
    %dma_start3A_15 = tpu.memref_slice %arg2[%add3A_13, %dma_start3A_14] : memref<2048x768xf32, #tpu.memory_space<hbm>> -> memref<32x768xf32, #tpu.memory_space<hbm>>
    %dma_start3A_16 = arith.constant 0 : i32
    %dma_start3A_17 = tpu.memref_slice %arg2[%add3A_13, %dma_start3A_16] : memref<2048x768xf32, #tpu.memory_space<hbm>> -> memref<32x768xf32, #tpu.memory_space<hbm>>
    tpu.enqueue_dma source(%dma_start3A_17 : memref<32x768xf32, #tpu.memory_space<hbm>>) target(%arg8 : memref<32x768xf32, #tpu.memory_space<vmem>>) target_semaphore(%arg12 : memref<!tpu.dma_semaphore, #tpu.memory_space<semaphore_mem>>)
    %dma_wait3A = tpu.memref_slice %arg3[%mul3A_2] : memref<2048xi32, #tpu.memory_space<hbm>> -> memref<32xi32, #tpu.memory_space<hbm>>
    %dma_wait3A_18 = tpu.memref_slice %arg3[%mul3A_2] : memref<2048xi32, #tpu.memory_space<hbm>> -> memref<32xi32, #tpu.memory_space<hbm>>
    tpu.wait_dma2 semaphore(%arg9 : memref<!tpu.dma_semaphore, #tpu.memory_space<semaphore_mem>>) src(%dma_wait3A_18 : memref<32xi32, #tpu.memory_space<hbm>>) dst(%arg5 : memref<32xi32, #tpu.memory_space<vmem>>)
    %dma_wait3A_19 = arith.constant 0 : i32
    %dma_wait3A_20 = tpu.memref_slice %arg2[%mul3A_2, %dma_wait3A_19] : memref<2048x768xf32, #tpu.memory_space<hbm>> -> memref<32x768xf32, #tpu.memory_space<hbm>>
    %dma_wait3A_21 = arith.constant 0 : i32
    %dma_wait3A_22 = tpu.memref_slice %arg2[%mul3A_2, %dma_wait3A_21] : memref<2048x768xf32, #tpu.memory_space<hbm>> -> memref<32x768xf32, #tpu.memory_space<hbm>>
    tpu.wait_dma2 semaphore(%arg11 : memref<!tpu.dma_semaphore, #tpu.memory_space<semaphore_mem>>) src(%dma_wait3A_22 : memref<32x768xf32, #tpu.memory_space<hbm>>) dst(%arg7 : memref<32x768xf32, #tpu.memory_space<vmem>>)
    %dma_start3A_23 = arith.constant 0 : i32
    %dma_start3A_24 = arith.constant 0 : i32
    %dma_start3A_25 = tpu.memref_slice %arg4[%dma_start3A_23, %dma_start3A_24] : memref<2048x768xf32, #tpu.memory_space<hbm>> -> memref<2048x768xf32, #tpu.memory_space<hbm>>
    tpu.enqueue_indirect_dma source(%arg7 : memref<32x768xf32, #tpu.memory_space<vmem>>) target(%dma_start3A_25 : memref<2048x768xf32, #tpu.memory_space<hbm>>) offsets(%arg5 : memref<32xi32, #tpu.memory_space<vmem>>) semaphore(%arg9 : memref<!tpu.dma_semaphore, #tpu.memory_space<semaphore_mem>>)
    %dma_wait3A_26 = tpu.memref_slice %arg3[%add3A_5] : memref<2048xi32, #tpu.memory_space<hbm>> -> memref<32xi32, #tpu.memory_space<hbm>>
    %dma_wait3A_27 = tpu.memref_slice %arg3[%add3A_5] : memref<2048xi32, #tpu.memory_space<hbm>> -> memref<32xi32, #tpu.memory_space<hbm>>
    tpu.wait_dma2 semaphore(%arg10 : memref<!tpu.dma_semaphore, #tpu.memory_space<semaphore_mem>>) src(%dma_wait3A_27 : memref<32xi32, #tpu.memory_space<hbm>>) dst(%arg6 : memref<32xi32, #tpu.memory_space<vmem>>)
    %dma_wait3A_28 = arith.constant 0 : i32
    %dma_wait3A_29 = tpu.memref_slice %arg2[%add3A_13, %dma_wait3A_28] : memref<2048x768xf32, #tpu.memory_space<hbm>> -> memref<32x768xf32, #tpu.memory_space<hbm>>
    %dma_wait3A_30 = arith.constant 0 : i32
    %dma_wait3A_31 = tpu.memref_slice %arg2[%add3A_13, %dma_wait3A_30] : memref<2048x768xf32, #tpu.memory_space<hbm>> -> memref<32x768xf32, #tpu.memory_space<hbm>>
    tpu.wait_dma2 semaphore(%arg12 : memref<!tpu.dma_semaphore, #tpu.memory_space<semaphore_mem>>) src(%dma_wait3A_31 : memref<32x768xf32, #tpu.memory_space<hbm>>) dst(%arg8 : memref<32x768xf32, #tpu.memory_space<vmem>>)
    %dma_start3A_32 = arith.constant 0 : i32
    %dma_start3A_33 = arith.constant 0 : i32
    %dma_start3A_34 = tpu.memref_slice %arg4[%dma_start3A_32, %dma_start3A_33] : memref<2048x768xf32, #tpu.memory_space<hbm>> -> memref<2048x768xf32, #tpu.memory_space<hbm>>
    tpu.enqueue_indirect_dma source(%arg8 : memref<32x768xf32, #tpu.memory_space<vmem>>) target(%dma_start3A_34 : memref<2048x768xf32, #tpu.memory_space<hbm>>) offsets(%arg6 : memref<32xi32, #tpu.memory_space<vmem>>) semaphore(%arg10 : memref<!tpu.dma_semaphore, #tpu.memory_space<semaphore_mem>>)
    %dma_wait3A_35 = arith.constant 0 : i32
    %dma_wait3A_36 = arith.constant 0 : i32
    %dma_wait3A_37 = tpu.memref_slice %arg4[%dma_wait3A_35, %dma_wait3A_36] : memref<2048x768xf32, #tpu.memory_space<hbm>> -> memref<2048x768xf32, #tpu.memory_space<hbm>>
    tpu.wait_indirect_dma semaphore(%arg9 : memref<!tpu.dma_semaphore, #tpu.memory_space<semaphore_mem>>) src(%arg7 : memref<32x768xf32, #tpu.memory_space<vmem>>) dst(%dma_wait3A_37 : memref<2048x768xf32, #tpu.memory_space<hbm>>)
    %dma_wait3A_38 = arith.constant 0 : i32
    %dma_wait3A_39 = arith.constant 0 : i32
    %dma_wait3A_40 = tpu.memref_slice %arg4[%dma_wait3A_38, %dma_wait3A_39] : memref<2048x768xf32, #tpu.memory_space<hbm>> -> memref<2048x768xf32, #tpu.memory_space<hbm>>
    tpu.wait_indirect_dma semaphore(%arg10 : memref<!tpu.dma_semaphore, #tpu.memory_space<semaphore_mem>>) src(%arg8 : memref<32x768xf32, #tpu.memory_space<vmem>>) dst(%dma_wait3A_40 : memref<2048x768xf32, #tpu.memory_space<hbm>>)
    return
  }
}

#map = affine_map<(d0, d1) -> (0, 0)>
#map1 = affine_map<(d0, d1) -> (0)>
module attributes {stable_mosaic.version = 14 : i64} {
  func.func @k(%arg0: i32, %arg1: i32, %arg2: memref<2048x768xf32, #tpu.memory_space<hbm>>, %arg3: memref<2048xi32, #tpu.memory_space<hbm>>, %arg4: memref<2048x768xf32, #tpu.memory_space<hbm>>, %arg5: memref<32xi32, #tpu.memory_space<vmem>>, %arg6: memref<32xi32, #tpu.memory_space<vmem>>, %arg7: memref<32x768xf32, #tpu.memory_space<vmem>>, %arg8: memref<32x768xf32, #tpu.memory_space<vmem>>, %arg9: memref<!tpu.dma_semaphore, #tpu.memory_space<semaphore_mem>>, %arg10: memref<!tpu.dma_semaphore, #tpu.memory_space<semaphore_mem>>, %arg11: memref<!tpu.dma_semaphore, #tpu.memory_space<semaphore_mem>>, %arg12: memref<!tpu.dma_semaphore, #tpu.memory_space<semaphore_mem>>) attributes {dimension_semantics = [#tpu.dimension_semantics<core_parallel>, #tpu.dimension_semantics<subcore_parallel>], iteration_bounds = array<i64: 2, 16>, scalar_prefetch = 0 : i64, scratch_operands = 8 : i64, tpu.core_type = #tpu.core_type<sc_vector_subcore>, window_params = [{transform_indices = #map}, {transform_indices = #map1}, {transform_indices = #map}]} {
    %mul3A = arith.constant 2 : i32
    %mul3A_0 = arith.muli %arg1, %mul3A : i32
    %add3A = arith.addi %mul3A_0, %arg0 : i32
    %mul3A_1 = arith.constant 64 : i32
    %mul3A_2 = arith.muli %add3A, %mul3A_1 : i32
    %dma_start3A = tpu.memref_slice %arg3[%mul3A_2] : memref<2048xi32, #tpu.memory_space<hbm>> -> memref<32xi32, #tpu.memory_space<hbm>>
    %dma_start3A_3 = tpu.memref_slice %arg3[%mul3A_2] : memref<2048xi32, #tpu.memory_space<hbm>> -> memref<32xi32, #tpu.memory_space<hbm>>
    tpu.enqueue_dma source(%dma_start3A_3 : memref<32xi32, #tpu.memory_space<hbm>>) target(%arg5 : memref<32xi32, #tpu.memory_space<vmem>>) target_semaphore(%arg9 : memref<!tpu.dma_semaphore, #tpu.memory_space<semaphore_mem>>)
    %add3A_4 = arith.constant 32 : i32
    %add3A_5 = arith.addi %mul3A_2, %add3A_4 : i32
    %dma_start3A_6 = tpu.memref_slice %arg3[%add3A_5] : memref<2048xi32, #tpu.memory_space<hbm>> -> memref<32xi32, #tpu.memory_space<hbm>>
    %dma_start3A_7 = tpu.memref_slice %arg3[%add3A_5] : memref<2048xi32, #tpu.memory_space<hbm>> -> memref<32xi32, #tpu.memory_space<hbm>>
    tpu.enqueue_dma source(%dma_start3A_7 : memref<32xi32, #tpu.memory_space<hbm>>) target(%arg6 : memref<32xi32, #tpu.memory_space<vmem>>) target_semaphore(%arg10 : memref<!tpu.dma_semaphore, #tpu.memory_space<semaphore_mem>>)
    %dma_wait3A = tpu.memref_slice %arg3[%mul3A_2] : memref<2048xi32, #tpu.memory_space<hbm>> -> memref<32xi32, #tpu.memory_space<hbm>>
    %dma_wait3A_8 = tpu.memref_slice %arg3[%mul3A_2] : memref<2048xi32, #tpu.memory_space<hbm>> -> memref<32xi32, #tpu.memory_space<hbm>>
    tpu.wait_dma2 semaphore(%arg9 : memref<!tpu.dma_semaphore, #tpu.memory_space<semaphore_mem>>) src(%dma_wait3A_8 : memref<32xi32, #tpu.memory_space<hbm>>) dst(%arg5 : memref<32xi32, #tpu.memory_space<vmem>>)
    %dma_start3A_9 = arith.constant 0 : i32
    %dma_start3A_10 = arith.constant 0 : i32
    %dma_start3A_11 = tpu.memref_slice %arg2[%dma_start3A_9, %dma_start3A_10] : memref<2048x768xf32, #tpu.memory_space<hbm>> -> memref<2048x768xf32, #tpu.memory_space<hbm>>
    tpu.enqueue_indirect_dma source(%dma_start3A_11 : memref<2048x768xf32, #tpu.memory_space<hbm>>) target(%arg7 : memref<32x768xf32, #tpu.memory_space<vmem>>) offsets(%arg5 : memref<32xi32, #tpu.memory_space<vmem>>) semaphore(%arg11 : memref<!tpu.dma_semaphore, #tpu.memory_space<semaphore_mem>>)
    %dma_wait3A_12 = tpu.memref_slice %arg3[%add3A_5] : memref<2048xi32, #tpu.memory_space<hbm>> -> memref<32xi32, #tpu.memory_space<hbm>>
    %dma_wait3A_13 = tpu.memref_slice %arg3[%add3A_5] : memref<2048xi32, #tpu.memory_space<hbm>> -> memref<32xi32, #tpu.memory_space<hbm>>
    tpu.wait_dma2 semaphore(%arg10 : memref<!tpu.dma_semaphore, #tpu.memory_space<semaphore_mem>>) src(%dma_wait3A_13 : memref<32xi32, #tpu.memory_space<hbm>>) dst(%arg6 : memref<32xi32, #tpu.memory_space<vmem>>)
    %dma_start3A_14 = arith.constant 0 : i32
    %dma_start3A_15 = arith.constant 0 : i32
    %dma_start3A_16 = tpu.memref_slice %arg2[%dma_start3A_14, %dma_start3A_15] : memref<2048x768xf32, #tpu.memory_space<hbm>> -> memref<2048x768xf32, #tpu.memory_space<hbm>>
    tpu.enqueue_indirect_dma source(%dma_start3A_16 : memref<2048x768xf32, #tpu.memory_space<hbm>>) target(%arg8 : memref<32x768xf32, #tpu.memory_space<vmem>>) offsets(%arg6 : memref<32xi32, #tpu.memory_space<vmem>>) semaphore(%arg12 : memref<!tpu.dma_semaphore, #tpu.memory_space<semaphore_mem>>)
    %dma_wait3A_17 = arith.constant 0 : i32
    %dma_wait3A_18 = arith.constant 0 : i32
    %dma_wait3A_19 = tpu.memref_slice %arg2[%dma_wait3A_17, %dma_wait3A_18] : memref<2048x768xf32, #tpu.memory_space<hbm>> -> memref<2048x768xf32, #tpu.memory_space<hbm>>
    tpu.wait_indirect_dma semaphore(%arg11 : memref<!tpu.dma_semaphore, #tpu.memory_space<semaphore_mem>>) src(%dma_wait3A_19 : memref<2048x768xf32, #tpu.memory_space<hbm>>) dst(%arg7 : memref<32x768xf32, #tpu.memory_space<vmem>>)
    %dma_start3A_20 = arith.constant 0 : i32
    %dma_start3A_21 = tpu.memref_slice %arg4[%mul3A_2, %dma_start3A_20] : memref<2048x768xf32, #tpu.memory_space<hbm>> -> memref<32x768xf32, #tpu.memory_space<hbm>>
    %dma_start3A_22 = arith.constant 0 : i32
    %dma_start3A_23 = tpu.memref_slice %arg4[%mul3A_2, %dma_start3A_22] : memref<2048x768xf32, #tpu.memory_space<hbm>> -> memref<32x768xf32, #tpu.memory_space<hbm>>
    tpu.enqueue_dma source(%arg7 : memref<32x768xf32, #tpu.memory_space<vmem>>) target(%dma_start3A_23 : memref<32x768xf32, #tpu.memory_space<hbm>>) target_semaphore(%arg9 : memref<!tpu.dma_semaphore, #tpu.memory_space<semaphore_mem>>)
    %dma_wait3A_24 = arith.constant 0 : i32
    %dma_wait3A_25 = arith.constant 0 : i32
    %dma_wait3A_26 = tpu.memref_slice %arg2[%dma_wait3A_24, %dma_wait3A_25] : memref<2048x768xf32, #tpu.memory_space<hbm>> -> memref<2048x768xf32, #tpu.memory_space<hbm>>
    tpu.wait_indirect_dma semaphore(%arg12 : memref<!tpu.dma_semaphore, #tpu.memory_space<semaphore_mem>>) src(%dma_wait3A_26 : memref<2048x768xf32, #tpu.memory_space<hbm>>) dst(%arg8 : memref<32x768xf32, #tpu.memory_space<vmem>>)
    %add3A_27 = arith.constant 32 : i32
    %add3A_28 = arith.addi %mul3A_2, %add3A_27 : i32
    %dma_start3A_29 = arith.constant 0 : i32
    %dma_start3A_30 = tpu.memref_slice %arg4[%add3A_28, %dma_start3A_29] : memref<2048x768xf32, #tpu.memory_space<hbm>> -> memref<32x768xf32, #tpu.memory_space<hbm>>
    %dma_start3A_31 = arith.constant 0 : i32
    %dma_start3A_32 = tpu.memref_slice %arg4[%add3A_28, %dma_start3A_31] : memref<2048x768xf32, #tpu.memory_space<hbm>> -> memref<32x768xf32, #tpu.memory_space<hbm>>
    tpu.enqueue_dma source(%arg8 : memref<32x768xf32, #tpu.memory_space<vmem>>) target(%dma_start3A_32 : memref<32x768xf32, #tpu.memory_space<hbm>>) target_semaphore(%arg10 : memref<!tpu.dma_semaphore, #tpu.memory_space<semaphore_mem>>)
    %dma_wait3A_33 = arith.constant 0 : i32
    %dma_wait3A_34 = tpu.memref_slice %arg4[%mul3A_2, %dma_wait3A_33] : memref<2048x768xf32, #tpu.memory_space<hbm>> -> memref<32x768xf32, #tpu.memory_space<hbm>>
    %dma_wait3A_35 = arith.constant 0 : i32
    %dma_wait3A_36 = tpu.memref_slice %arg4[%mul3A_2, %dma_wait3A_35] : memref<2048x768xf32, #tpu.memory_space<hbm>> -> memref<32x768xf32, #tpu.memory_space<hbm>>
    tpu.wait_dma2 semaphore(%arg9 : memref<!tpu.dma_semaphore, #tpu.memory_space<semaphore_mem>>) src(%arg7 : memref<32x768xf32, #tpu.memory_space<vmem>>) dst(%dma_wait3A_36 : memref<32x768xf32, #tpu.memory_space<hbm>>)
    %dma_wait3A_37 = arith.constant 0 : i32
    %dma_wait3A_38 = tpu.memref_slice %arg4[%add3A_28, %dma_wait3A_37] : memref<2048x768xf32, #tpu.memory_space<hbm>> -> memref<32x768xf32, #tpu.memory_space<hbm>>
    %dma_wait3A_39 = arith.constant 0 : i32
    %dma_wait3A_40 = tpu.memref_slice %arg4[%add3A_28, %dma_wait3A_39] : memref<2048x768xf32, #tpu.memory_space<hbm>> -> memref<32x768xf32, #tpu.memory_space<hbm>>
    tpu.wait_dma2 semaphore(%arg10 : memref<!tpu.dma_semaphore, #tpu.memory_space<semaphore_mem>>) src(%arg8 : memref<32x768xf32, #tpu.memory_space<vmem>>) dst(%dma_wait3A_40 : memref<32x768xf32, #tpu.memory_space<hbm>>)
    return
  }
}

module attributes {stable_mosaic.version = 14 : i64} {
  func.func @_router_body(%arg0: memref<2048x768xf32, #tpu.memory_space<vmem>>, %arg1: memref<64x768xf32, #tpu.memory_space<vmem>>, %arg2: memref<2048xi32, #tpu.memory_space<vmem>>, %arg3: memref<64xi32, #tpu.memory_space<vmem>>, %arg4: memref<64xi32, #tpu.memory_space<vmem>>) attributes {dimension_semantics = [], scalar_prefetch = 0 : i64, scratch_operands = 0 : i64, tpu.core_type = #tpu.core_type<tc>} {
    %get3A = arith.constant 0 : index
    %get3A_0 = arith.constant 0 : index
    %get3A_1 = vector.load %arg0[%get3A, %get3A_0] : memref<2048x768xf32, #tpu.memory_space<vmem>>, vector<2048x768xf32>
    %get3A_2 = arith.constant 0 : index
    %get3A_3 = arith.constant 0 : index
    %get3A_4 = vector.load %arg1[%get3A_2, %get3A_3] : memref<64x768xf32, #tpu.memory_space<vmem>>, vector<64x768xf32>
    %dot_general3A = arith.constant dense<0.000000e+00> : vector<2048x64xf32>
    %dot_general3A_5 = tpu.matmul %get3A_1, %get3A_4, %dot_general3A {dimension_numbers = #tpu.dot_dimension_numbers<[1], [1], [0], [0], [0, 0, 1, 0], [], []>, transpose_lhs_hint = false} : vector<2048x768xf32>, vector<64x768xf32>, vector<2048x64xf32> -> vector<2048x64xf32>
    %iota3A = tpu.iota {dimensions = array<i32: 1>} : vector<2048x64xi32>
    %reduce_max3A = arith.constant dense<0xFF800000> : vector<2048xf32>
    %reduce_max3A_6 = vector.multi_reduction <maximumf>, %dot_general3A_5, %reduce_max3A [1] : vector<2048x64xf32> to vector<2048xf32>
    %broadcast_in_dim3A = vector.shape_cast %reduce_max3A_6 : vector<2048xf32> to vector<2048x1xf32>
    %eq3A = vector.broadcast %broadcast_in_dim3A : vector<2048x1xf32> to vector<2048x64xf32>
    %eq3A_7 = arith.cmpf oeq, %dot_general3A_5, %eq3A : vector<2048x64xf32>
    %jit3A = arith.constant 64 : i32
    %broadcast_in_dim3A_8 = vector.broadcast %jit3A : i32 to vector<2048x64xi32>
    %select_n3A = arith.select %eq3A_7, %iota3A, %broadcast_in_dim3A_8 : vector<2048x64xi1>, vector<2048x64xi32>
    %reduce_min3A = arith.constant dense<2147483647> : vector<2048xi32>
    %reduce_min3A_9 = vector.multi_reduction <minsi>, %select_n3A, %reduce_min3A [1] : vector<2048x64xi32> to vector<2048xi32>
    %broadcast_in_dim3A_10 = vector.shape_cast %reduce_min3A_9 : vector<2048xi32> to vector<2048x1xi32>
    %eq3A_11 = vector.broadcast %broadcast_in_dim3A_10 : vector<2048x1xi32> to vector<2048x64xi32>
    %eq3A_12 = arith.cmpi eq, %iota3A, %eq3A_11 : vector<2048x64xi32>
    %convert_element_type3A = arith.extui %eq3A_12 : vector<2048x64xi1> to vector<2048x64xi32>
    %convert_element_type3A_13 = arith.sitofp %convert_element_type3A : vector<2048x64xi32> to vector<2048x64xf32>
    %reshape3A = vector.shape_cast %convert_element_type3A_13 : vector<2048x64xf32> to vector<16x128x64xf32>
    %reduce_sum3A = arith.constant dense<0.000000e+00> : vector<16x64xf32>
    %reduce_sum3A_14 = vector.multi_reduction <add>, %reshape3A, %reduce_sum3A [1] : vector<16x128x64xf32> to vector<16x64xf32>
    %reduce_sum3A_15 = arith.constant dense<0.000000e+00> : vector<64xf32>
    %reduce_sum3A_16 = vector.multi_reduction <add>, %reduce_sum3A_14, %reduce_sum3A_15 [0] : vector<16x64xf32> to vector<64xf32>
    %iota3A_17 = tpu.iota {dimensions = array<i32: 0>} : vector<64x64xi32>
    %iota3A_18 = tpu.iota {dimensions = array<i32: 1>} : vector<64x64xi32>
    %lt3A = arith.cmpi slt, %iota3A_17, %iota3A_18 : vector<64x64xi32>
    %convert_element_type3A_19 = arith.extui %lt3A : vector<64x64xi1> to vector<64x64xi32>
    %convert_element_type3A_20 = arith.sitofp %convert_element_type3A_19 : vector<64x64xi32> to vector<64x64xf32>
    %reshape3A_21 = vector.shape_cast %reduce_sum3A_16 : vector<64xf32> to vector<1x64xf32>
    %dot_general3A_22 = arith.constant dense<0.000000e+00> : vector<1x64xf32>
    %dot_general3A_23 = tpu.matmul %reshape3A_21, %convert_element_type3A_20, %dot_general3A_22 {dimension_numbers = #tpu.dot_dimension_numbers<[1], [0], [0], [1], [0, 0, 1, 1], [], []>, transpose_lhs_hint = false} : vector<1x64xf32>, vector<64x64xf32>, vector<1x64xf32> -> vector<1x64xf32>
    %iota3A_24 = tpu.iota {dimensions = array<i32: 0>} : vector<16x16xi32>
    %iota3A_25 = tpu.iota {dimensions = array<i32: 1>} : vector<16x16xi32>
    %lt3A_26 = arith.cmpi slt, %iota3A_25, %iota3A_24 : vector<16x16xi32>
    %convert_element_type3A_27 = arith.extui %lt3A_26 : vector<16x16xi1> to vector<16x16xi32>
    %convert_element_type3A_28 = arith.sitofp %convert_element_type3A_27 : vector<16x16xi32> to vector<16x16xf32>
    %dot_general3A_29 = arith.constant dense<0.000000e+00> : vector<16x64xf32>
    %dot_general3A_30 = tpu.matmul %convert_element_type3A_28, %reduce_sum3A_14, %dot_general3A_29 {dimension_numbers = #tpu.dot_dimension_numbers<[1], [0], [0], [1], [0, 0, 1, 1], [], []>, transpose_lhs_hint = false} : vector<16x16xf32>, vector<16x64xf32>, vector<16x64xf32> -> vector<16x64xf32>
    %iota3A_31 = tpu.iota {dimensions = array<i32: 0>} : vector<128x128xi32>
    %iota3A_32 = tpu.iota {dimensions = array<i32: 1>} : vector<128x128xi32>
    %le3A = arith.cmpi sle, %iota3A_32, %iota3A_31 : vector<128x128xi32>
    %convert_element_type3A_33 = arith.extui %le3A : vector<128x128xi1> to vector<128x128xi32>
    %convert_element_type3A_34 = arith.sitofp %convert_element_type3A_33 : vector<128x128xi32> to vector<128x128xf32>
    %broadcast_in_dim3A_35 = vector.shape_cast %convert_element_type3A_34 : vector<128x128xf32> to vector<1x128x128xf32>
    %broadcast_in_dim3A_36 = vector.shape_cast %broadcast_in_dim3A_35 : vector<1x128x128xf32> to vector<1x128x128xf32>
    %broadcast_in_dim3A_37 = vector.broadcast %broadcast_in_dim3A_36 : vector<1x128x128xf32> to vector<16x128x128xf32>
    %dot_general3A_38 = arith.constant dense<0.000000e+00> : vector<16x128x64xf32>
    %dot_general3A_39 = tpu.matmul %broadcast_in_dim3A_37, %reshape3A, %dot_general3A_38 {dimension_numbers = #tpu.dot_dimension_numbers<[2], [1], [1], [2], [0, 0, 0, 1, 1, 2], [0], [0]>, transpose_lhs_hint = false} : vector<16x128x128xf32>, vector<16x128x64xf32>, vector<16x128x64xf32> -> vector<16x128x64xf32>
    %broadcast_in_dim3A_40 = vector.shape_cast %dot_general3A_30 : vector<16x64xf32> to vector<16x1x64xf32>
    %add3A = vector.broadcast %broadcast_in_dim3A_40 : vector<16x1x64xf32> to vector<16x128x64xf32>
    %add3A_41 = arith.addf %dot_general3A_39, %add3A : vector<16x128x64xf32>
    %reshape3A_42 = vector.shape_cast %dot_general3A_23 : vector<1x64xf32> to vector<1x1x64xf32>
    %add3A_43 = vector.broadcast %reshape3A_42 : vector<1x1x64xf32> to vector<16x128x64xf32>
    %add3A_44 = arith.addf %add3A_41, %add3A_43 : vector<16x128x64xf32>
    %mul3A = arith.mulf %reshape3A, %add3A_44 : vector<16x128x64xf32>
    %reduce_sum3A_45 = arith.constant dense<0.000000e+00> : vector<16x128xf32>
    %reduce_sum3A_46 = vector.multi_reduction <add>, %mul3A, %reduce_sum3A_45 [2] : vector<16x128x64xf32> to vector<16x128xf32>
    %sub3A = arith.constant 1.000000e+00 : f32
    %sub3A_47 = vector.broadcast %sub3A : f32 to vector<16x128xf32>
    %sub3A_48 = arith.subf %reduce_sum3A_46, %sub3A_47 : vector<16x128xf32>
    %reshape3A_49 = vector.shape_cast %sub3A_48 : vector<16x128xf32> to vector<2048xf32>
    %convert_element_type3A_50 = arith.fptosi %reshape3A_49 : vector<2048xf32> to vector<2048xi32>
    %swap3A = arith.constant 0 : index
    %swap3A_51 = vector.load %arg2[%swap3A] : memref<2048xi32, #tpu.memory_space<vmem>>, vector<2048xi32>
    tpu.vector_store %arg2[%swap3A], %convert_element_type3A_50 {strides = array<i32>} : memref<2048xi32, #tpu.memory_space<vmem>>, vector<2048xi32>,
    %reshape3A_52 = vector.shape_cast %dot_general3A_23 : vector<1x64xf32> to vector<64xf32>
    %convert_element_type3A_53 = arith.fptosi %reshape3A_52 : vector<64xf32> to vector<64xi32>
    %swap3A_54 = arith.constant 0 : index
    %swap3A_55 = vector.load %arg3[%swap3A_54] : memref<64xi32, #tpu.memory_space<vmem>>, vector<64xi32>
    tpu.vector_store %arg3[%swap3A_54], %convert_element_type3A_53 {strides = array<i32>} : memref<64xi32, #tpu.memory_space<vmem>>, vector<64xi32>,
    %convert_element_type3A_56 = arith.fptosi %reduce_sum3A_16 : vector<64xf32> to vector<64xi32>
    %swap3A_57 = arith.constant 0 : index
    %swap3A_58 = vector.load %arg4[%swap3A_57] : memref<64xi32, #tpu.memory_space<vmem>>, vector<64xi32>
    tpu.vector_store %arg4[%swap3A_57], %convert_element_type3A_56 {strides = array<i32>} : memref<64xi32, #tpu.memory_space<vmem>>, vector<64xi32>,
    return
  }
}

module attributes {stable_mosaic.version = 14 : i64} {
  func.func @_expert_body(%arg0: i32, %arg1: memref<64xi32, #tpu.memory_space<smem>>, %arg2: memref<64xi32, #tpu.memory_space<smem>>, %arg3: memref<2048x768xf32, #tpu.memory_space<vmem>>, %arg4: memref<2x1024x768xf32, #tpu.memory_space<vmem>>, %arg5: memref<2x1024x768xf32, #tpu.memory_space<vmem>>, %arg6: memref<2x768x1024xf32, #tpu.memory_space<vmem>>, %arg7: memref<2048x768xf32, #tpu.memory_space<vmem>>) attributes {dimension_semantics = [#tpu.dimension_semantics<arbitrary>], iteration_bounds = array<i64: 32>, scalar_prefetch = 0 : i64, scratch_operands = 0 : i64, tpu.core_type = #tpu.core_type<tc>, window_params = [{transform_indices = @transform_0, window_bounds = array<i64: 64>}, {transform_indices = @transform_1, window_bounds = array<i64: 64>}, {pipeline_mode = #tpu.pipeline_mode<synchronous>, transform_indices = @transform_2, window_bounds = array<i64: 2048, 768>}, {transform_indices = @transform_3, window_bounds = array<i64: 2, 1024, 768>}, {transform_indices = @transform_4, window_bounds = array<i64: 2, 1024, 768>}, {transform_indices = @transform_5, window_bounds = array<i64: 2, 768, 1024>}, {pipeline_mode = #tpu.pipeline_mode<synchronous>, transform_indices = @transform_6, window_bounds = array<i64: 2048, 768>}]} {
    %eq3A = arith.constant 0 : i32
    %eq3A_0 = arith.cmpi eq, %arg0, %eq3A : i32
    %convert_element_type3A = arith.extui %eq3A_0 : i1 to i32
    %cond3A = arith.constant 0 : i32
    %cond3A_1 = arith.cmpi ne, %convert_element_type3A, %cond3A : i32
    scf.if %cond3A_1 {
      %broadcast_in_dim3A = arith.constant 0.000000e+00 : f32
      %broadcast_in_dim3A_178 = vector.broadcast %broadcast_in_dim3A : f32 to vector<2048x768xf32>
      %swap3A = arith.constant 0 : index
      %swap3A_179 = arith.constant 0 : index
      %swap3A_180 = vector.load %arg7[%swap3A, %swap3A_179] : memref<2048x768xf32, #tpu.memory_space<vmem>>, vector<2048x768xf32>
      tpu.vector_store %arg7[%swap3A, %swap3A_179], %broadcast_in_dim3A_178 {strides = array<i32>} : memref<2048x768xf32, #tpu.memory_space<vmem>>, vector<2048x768xf32>,
    } else {
    }
    %mul3A = arith.constant 2 : i32
    %mul3A_2 = arith.muli %arg0, %mul3A : i32
    %add3A = arith.constant 0 : i32
    %add3A_3 = arith.addi %mul3A_2, %add3A : i32
    %get3A = arith.index_cast %add3A_3 : i32 to index
    %get3A_4 = memref.load %arg1[%get3A] : memref<64xi32, #tpu.memory_space<smem>>
    %get3A_5 = arith.index_cast %add3A_3 : i32 to index
    %get3A_6 = memref.load %arg2[%get3A_5] : memref<64xi32, #tpu.memory_space<smem>>
    %get3A_7 = arith.constant 0 : index
    %get3A_8 = arith.constant 0 : index
    %get3A_9 = arith.constant 0 : index
    %get3A_10 = vector.load %arg4[%get3A_7, %get3A_8, %get3A_9] : memref<2x1024x768xf32, #tpu.memory_space<vmem>>, vector<1x1024x768xf32>
    %get3A_11 = vector.shape_cast %get3A_10 : vector<1x1024x768xf32> to vector<1024x768xf32>
    %convert_element_type3A_12 = arith.truncf %get3A_11 : vector<1024x768xf32> to vector<1024x768xbf16>
    %get3A_13 = arith.constant 0 : index
    %get3A_14 = arith.constant 0 : index
    %get3A_15 = arith.constant 0 : index
    %get3A_16 = vector.load %arg5[%get3A_13, %get3A_14, %get3A_15] : memref<2x1024x768xf32, #tpu.memory_space<vmem>>, vector<1x1024x768xf32>
    %get3A_17 = vector.shape_cast %get3A_16 : vector<1x1024x768xf32> to vector<1024x768xf32>
    %convert_element_type3A_18 = arith.truncf %get3A_17 : vector<1024x768xf32> to vector<1024x768xbf16>
    %get3A_19 = arith.constant 0 : index
    %get3A_20 = arith.constant 0 : index
    %get3A_21 = arith.constant 0 : index
    %get3A_22 = vector.load %arg6[%get3A_19, %get3A_20, %get3A_21] : memref<2x768x1024xf32, #tpu.memory_space<vmem>>, vector<1x768x1024xf32>
    %get3A_23 = vector.shape_cast %get3A_22 : vector<1x768x1024xf32> to vector<768x1024xf32>
    %convert_element_type3A_24 = arith.truncf %get3A_23 : vector<768x1024xf32> to vector<768x1024xbf16>
    %jit3A = arith.constant 8 : i32
    %div3A = arith.divsi %get3A_4, %jit3A : i32
    %sign3A = arith.constant 0 : i32
    %sign3A_25 = arith.cmpi sgt, %get3A_4, %sign3A : i32
    %sign3A_26 = arith.extui %sign3A_25 : i1 to i32
    %sign3A_27 = arith.constant 0 : i32
    %sign3A_28 = arith.cmpi slt, %get3A_4, %sign3A_27 : i32
    %sign3A_29 = arith.extui %sign3A_28 : i1 to i32
    %sign3A_30 = arith.subi %sign3A_26, %sign3A_29 : i32
    %sign3A_31 = arith.constant 0 : i32
    %sign3A_32 = arith.cmpi sgt, %jit3A, %sign3A_31 : i32
    %sign3A_33 = arith.extui %sign3A_32 : i1 to i32
    %sign3A_34 = arith.constant 0 : i32
    %sign3A_35 = arith.cmpi slt, %jit3A, %sign3A_34 : i32
    %sign3A_36 = arith.extui %sign3A_35 : i1 to i32
    %sign3A_37 = arith.subi %sign3A_33, %sign3A_36 : i32
    %ne3A = arith.cmpi ne, %sign3A_30, %sign3A_37 : i32
    %rem3A = arith.remsi %get3A_4, %jit3A : i32
    %ne3A_38 = arith.constant 0 : i32
    %ne3A_39 = arith.cmpi ne, %rem3A, %ne3A_38 : i32
    %and3A = arith.andi %ne3A, %ne3A_39 : i1
    %sub3A = arith.constant 1 : i32
    %sub3A_40 = arith.subi %div3A, %sub3A : i32
    %select_n3A = arith.select %and3A, %sub3A_40, %div3A : i32
    %mul3A_41 = arith.constant 8 : i32
    %mul3A_42 = arith.muli %select_n3A, %mul3A_41 : i32
    %add3A_43 = arith.addi %get3A_4, %get3A_6 : i32
    %sub3A_44 = arith.subi %add3A_43, %mul3A_42 : i32
    %add3A_45 = arith.constant 64 : i32
    %add3A_46 = arith.addi %sub3A_44, %add3A_45 : i32
    %sub3A_47 = arith.constant 1 : i32
    %sub3A_48 = arith.subi %add3A_46, %sub3A_47 : i32
    %jit3A_49 = arith.constant 64 : i32
    %div3A_50 = arith.divsi %sub3A_48, %jit3A_49 : i32
    %sign3A_51 = arith.constant 0 : i32
    %sign3A_52 = arith.cmpi sgt, %sub3A_48, %sign3A_51 : i32
    %sign3A_53 = arith.extui %sign3A_52 : i1 to i32
    %sign3A_54 = arith.constant 0 : i32
    %sign3A_55 = arith.cmpi slt, %sub3A_48, %sign3A_54 : i32
    %sign3A_56 = arith.extui %sign3A_55 : i1 to i32
    %sign3A_57 = arith.subi %sign3A_53, %sign3A_56 : i32
    %sign3A_58 = arith.constant 0 : i32
    %sign3A_59 = arith.cmpi sgt, %jit3A_49, %sign3A_58 : i32
    %sign3A_60 = arith.extui %sign3A_59 : i1 to i32
    %sign3A_61 = arith.constant 0 : i32
    %sign3A_62 = arith.cmpi slt, %jit3A_49, %sign3A_61 : i32
    %sign3A_63 = arith.extui %sign3A_62 : i1 to i32
    %sign3A_64 = arith.subi %sign3A_60, %sign3A_63 : i32
    %ne3A_65 = arith.cmpi ne, %sign3A_57, %sign3A_64 : i32
    %rem3A_66 = arith.remsi %sub3A_48, %jit3A_49 : i32
    %ne3A_67 = arith.constant 0 : i32
    %ne3A_68 = arith.cmpi ne, %rem3A_66, %ne3A_67 : i32
    %and3A_69 = arith.andi %ne3A_65, %ne3A_68 : i1
    %sub3A_70 = arith.constant 1 : i32
    %sub3A_71 = arith.subi %div3A_50, %sub3A_70 : i32
    %select_n3A_72 = arith.select %and3A_69, %sub3A_71, %div3A_50 : i32
    %while3A = arith.constant 0 : i32
    %while3A_73 = arith.constant 0 : i32
    %while3A_74 = arith.subi %select_n3A_72, %while3A : i32
    %while3A_75 = arith.addi %while3A, %while3A_74 : i32
    %while3A_76 = arith.constant 1 : i32
    %while3A_77 = arith.divsi %while3A_74, %while3A_76 : i32
    %while3A_78 = arith.muli %while3A_77, %while3A_76 : i32
    %while3A_79 = arith.addi %while3A, %while3A_78 : i32
    %while3A_80 = arith.constant 1 : i32
    %while3A_81 = scf.for %while3A_178 = %while3A to %while3A_79 step %while3A_80 iter_args(%while3A_179 = %while3A_73) -> (i32)  : i32 {
      %mul3A_180 = arith.constant 64 : i32
      %mul3A_181 = arith.muli %while3A_178, %mul3A_180 : i32
      %add3A_182 = arith.addi %mul3A_42, %mul3A_181 : i32
      %min3A = arith.constant 1984 : i32
      %min3A_183 = arith.minsi %add3A_182, %min3A : i32
      %multiple_of3A = tpu.assume_multiple %min3A_183, 8 : i32
      %get3A_184 = arith.index_cast %multiple_of3A : i32 to index
      %get3A_185 = arith.constant 0 : index
      %get3A_186 = vector.load %arg3[%get3A_184, %get3A_185] : memref<2048x768xf32, #tpu.memory_space<vmem>>, vector<64x768xf32>
      %convert_element_type3A_187 = arith.truncf %get3A_186 : vector<64x768xf32> to vector<64x768xbf16>
      %dot_general3A = arith.constant dense<0.000000e+00> : vector<64x1024xf32>
      %dot_general3A_188 = tpu.matmul %convert_element_type3A_187, %convert_element_type3A_12, %dot_general3A {dimension_numbers = #tpu.dot_dimension_numbers<[1], [1], [0], [0], [0, 0, 1, 0], [], []>, transpose_lhs_hint = false} : vector<64x768xbf16>, vector<1024x768xbf16>, vector<64x1024xf32> -> vector<64x1024xf32>
      %dot_general3A_189 = arith.constant dense<0.000000e+00> : vector<64x1024xf32>
      %dot_general3A_190 = tpu.matmul %convert_element_type3A_187, %convert_element_type3A_18, %dot_general3A_189 {dimension_numbers = #tpu.dot_dimension_numbers<[1], [1], [0], [0], [0, 0, 1, 0], [], []>, transpose_lhs_hint = false} : vector<64x768xbf16>, vector<1024x768xbf16>, vector<64x1024xf32> -> vector<64x1024xf32>
      %logistic3A = arith.negf %dot_general3A_188 : vector<64x1024xf32>
      %logistic3A_191 = math.exp %logistic3A : vector<64x1024xf32>
      %logistic3A_192 = arith.constant 1.000000e+00 : f32
      %logistic3A_193 = vector.broadcast %logistic3A_192 : f32 to vector<64x1024xf32>
      %logistic3A_194 = arith.addf %logistic3A_193, %logistic3A_191 : vector<64x1024xf32>
      %logistic3A_195 = arith.divf %logistic3A_193, %logistic3A_194 : vector<64x1024xf32>
      %mul3A_196 = arith.mulf %dot_general3A_188, %logistic3A_195 : vector<64x1024xf32>
      %mul3A_197 = arith.mulf %mul3A_196, %dot_general3A_190 : vector<64x1024xf32>
      %convert_element_type3A_198 = arith.truncf %mul3A_197 : vector<64x1024xf32> to vector<64x1024xbf16>
      %dot_general3A_199 = arith.constant dense<0.000000e+00> : vector<64x768xf32>
      %dot_general3A_200 = tpu.matmul %convert_element_type3A_198, %convert_element_type3A_24, %dot_general3A_199 {dimension_numbers = #tpu.dot_dimension_numbers<[1], [1], [0], [0], [0, 0, 1, 0], [], []>, transpose_lhs_hint = false} : vector<64x1024xbf16>, vector<768x1024xbf16>, vector<64x768xf32> -> vector<64x768xf32>
      %iota3A = tpu.iota {dimensions = array<i32: 0>} : vector<64x1xi32>
      %add3A_201 = vector.broadcast %multiple_of3A : i32 to vector<64x1xi32>
      %add3A_202 = arith.addi %add3A_201, %iota3A : vector<64x1xi32>
      %max3A = arith.maxsi %add3A_182, %get3A_4 : i32
      %ge3A = vector.broadcast %max3A : i32 to vector<64x1xi32>
      %ge3A_203 = arith.cmpi sge, %add3A_202, %ge3A : vector<64x1xi32>
      %lt3A = vector.broadcast %add3A_43 : i32 to vector<64x1xi32>
      %lt3A_204 = arith.cmpi slt, %add3A_202, %lt3A : vector<64x1xi32>
      %and3A_205 = arith.andi %ge3A_203, %lt3A_204 : vector<64x1xi1>
      %get3A_206 = arith.index_cast %multiple_of3A : i32 to index
      %get3A_207 = arith.constant 0 : index
      %get3A_208 = vector.load %arg7[%get3A_206, %get3A_207] : memref<2048x768xf32, #tpu.memory_space<vmem>>, vector<64x768xf32>
      %jit3A_209 = arith.constant 0.000000e+00 : f32
      %broadcast_in_dim3A = vector.shape_cast %and3A_205 : vector<64x1xi1> to vector<64x1xi1>
      %broadcast_in_dim3A_210 = vector.broadcast %broadcast_in_dim3A : vector<64x1xi1> to vector<64x768xi1>
      %broadcast_in_dim3A_211 = vector.broadcast %jit3A_209 : f32 to vector<64x768xf32>
      %select_n3A_212 = arith.select %broadcast_in_dim3A_210, %dot_general3A_200, %broadcast_in_dim3A_211 : vector<64x768xi1>, vector<64x768xf32>
      %add3A_213 = arith.addf %get3A_208, %select_n3A_212 : vector<64x768xf32>
      %swap3A = arith.index_cast %multiple_of3A : i32 to index
      %swap3A_214 = arith.constant 0 : index
      %swap3A_215 = vector.load %arg7[%swap3A, %swap3A_214] : memref<2048x768xf32, #tpu.memory_space<vmem>>, vector<64x768xf32>
      tpu.vector_store %arg7[%swap3A, %swap3A_214], %add3A_213 {strides = array<i32>} : memref<2048x768xf32, #tpu.memory_space<vmem>>, vector<64x768xf32>,
      %while3A_216 = arith.constant 0 : i32
      scf.yield %while3A_216 : i32
    }
    %while3A_82 = arith.constant 1 : i32
    %while3A_83 = scf.for %while3A_178 = %while3A_79 to %while3A_75 step %while3A_82 iter_args(%while3A_179 = %while3A_81) -> (i32)  : i32 {
      %mul3A_180 = arith.constant 64 : i32
      %mul3A_181 = arith.muli %while3A_178, %mul3A_180 : i32
      %add3A_182 = arith.addi %mul3A_42, %mul3A_181 : i32
      %min3A = arith.constant 1984 : i32
      %min3A_183 = arith.minsi %add3A_182, %min3A : i32
      %multiple_of3A = tpu.assume_multiple %min3A_183, 8 : i32
      %get3A_184 = arith.index_cast %multiple_of3A : i32 to index
      %get3A_185 = arith.constant 0 : index
      %get3A_186 = vector.load %arg3[%get3A_184, %get3A_185] : memref<2048x768xf32, #tpu.memory_space<vmem>>, vector<64x768xf32>
      %convert_element_type3A_187 = arith.truncf %get3A_186 : vector<64x768xf32> to vector<64x768xbf16>
      %dot_general3A = arith.constant dense<0.000000e+00> : vector<64x1024xf32>
      %dot_general3A_188 = tpu.matmul %convert_element_type3A_187, %convert_element_type3A_12, %dot_general3A {dimension_numbers = #tpu.dot_dimension_numbers<[1], [1], [0], [0], [0, 0, 1, 0], [], []>, transpose_lhs_hint = false} : vector<64x768xbf16>, vector<1024x768xbf16>, vector<64x1024xf32> -> vector<64x1024xf32>
      %dot_general3A_189 = arith.constant dense<0.000000e+00> : vector<64x1024xf32>
      %dot_general3A_190 = tpu.matmul %convert_element_type3A_187, %convert_element_type3A_18, %dot_general3A_189 {dimension_numbers = #tpu.dot_dimension_numbers<[1], [1], [0], [0], [0, 0, 1, 0], [], []>, transpose_lhs_hint = false} : vector<64x768xbf16>, vector<1024x768xbf16>, vector<64x1024xf32> -> vector<64x1024xf32>
      %logistic3A = arith.negf %dot_general3A_188 : vector<64x1024xf32>
      %logistic3A_191 = math.exp %logistic3A : vector<64x1024xf32>
      %logistic3A_192 = arith.constant 1.000000e+00 : f32
      %logistic3A_193 = vector.broadcast %logistic3A_192 : f32 to vector<64x1024xf32>
      %logistic3A_194 = arith.addf %logistic3A_193, %logistic3A_191 : vector<64x1024xf32>
      %logistic3A_195 = arith.divf %logistic3A_193, %logistic3A_194 : vector<64x1024xf32>
      %mul3A_196 = arith.mulf %dot_general3A_188, %logistic3A_195 : vector<64x1024xf32>
      %mul3A_197 = arith.mulf %mul3A_196, %dot_general3A_190 : vector<64x1024xf32>
      %convert_element_type3A_198 = arith.truncf %mul3A_197 : vector<64x1024xf32> to vector<64x1024xbf16>
      %dot_general3A_199 = arith.constant dense<0.000000e+00> : vector<64x768xf32>
      %dot_general3A_200 = tpu.matmul %convert_element_type3A_198, %convert_element_type3A_24, %dot_general3A_199 {dimension_numbers = #tpu.dot_dimension_numbers<[1], [1], [0], [0], [0, 0, 1, 0], [], []>, transpose_lhs_hint = false} : vector<64x1024xbf16>, vector<768x1024xbf16>, vector<64x768xf32> -> vector<64x768xf32>
      %iota3A = tpu.iota {dimensions = array<i32: 0>} : vector<64x1xi32>
      %add3A_201 = vector.broadcast %multiple_of3A : i32 to vector<64x1xi32>
      %add3A_202 = arith.addi %add3A_201, %iota3A : vector<64x1xi32>
      %max3A = arith.maxsi %add3A_182, %get3A_4 : i32
      %ge3A = vector.broadcast %max3A : i32 to vector<64x1xi32>
      %ge3A_203 = arith.cmpi sge, %add3A_202, %ge3A : vector<64x1xi32>
      %lt3A = vector.broadcast %add3A_43 : i32 to vector<64x1xi32>
      %lt3A_204 = arith.cmpi slt, %add3A_202, %lt3A : vector<64x1xi32>
      %and3A_205 = arith.andi %ge3A_203, %lt3A_204 : vector<64x1xi1>
      %get3A_206 = arith.index_cast %multiple_of3A : i32 to index
      %get3A_207 = arith.constant 0 : index
      %get3A_208 = vector.load %arg7[%get3A_206, %get3A_207] : memref<2048x768xf32, #tpu.memory_space<vmem>>, vector<64x768xf32>
      %jit3A_209 = arith.constant 0.000000e+00 : f32
      %broadcast_in_dim3A = vector.shape_cast %and3A_205 : vector<64x1xi1> to vector<64x1xi1>
      %broadcast_in_dim3A_210 = vector.broadcast %broadcast_in_dim3A : vector<64x1xi1> to vector<64x768xi1>
      %broadcast_in_dim3A_211 = vector.broadcast %jit3A_209 : f32 to vector<64x768xf32>
      %select_n3A_212 = arith.select %broadcast_in_dim3A_210, %dot_general3A_200, %broadcast_in_dim3A_211 : vector<64x768xi1>, vector<64x768xf32>
      %add3A_213 = arith.addf %get3A_208, %select_n3A_212 : vector<64x768xf32>
      %swap3A = arith.index_cast %multiple_of3A : i32 to index
      %swap3A_214 = arith.constant 0 : index
      %swap3A_215 = vector.load %arg7[%swap3A, %swap3A_214] : memref<2048x768xf32, #tpu.memory_space<vmem>>, vector<64x768xf32>
      tpu.vector_store %arg7[%swap3A, %swap3A_214], %add3A_213 {strides = array<i32>} : memref<2048x768xf32, #tpu.memory_space<vmem>>, vector<64x768xf32>,
      %while3A_216 = arith.constant 0 : i32
      scf.yield %while3A_216 : i32
    }
    %mul3A_84 = arith.constant 2 : i32
    %mul3A_85 = arith.muli %arg0, %mul3A_84 : i32
    %add3A_86 = arith.constant 1 : i32
    %add3A_87 = arith.addi %mul3A_85, %add3A_86 : i32
    %get3A_88 = arith.index_cast %add3A_87 : i32 to index
    %get3A_89 = memref.load %arg1[%get3A_88] : memref<64xi32, #tpu.memory_space<smem>>
    %get3A_90 = arith.index_cast %add3A_87 : i32 to index
    %get3A_91 = memref.load %arg2[%get3A_90] : memref<64xi32, #tpu.memory_space<smem>>
    %get3A_92 = arith.constant 1 : index
    %get3A_93 = arith.constant 0 : index
    %get3A_94 = arith.constant 0 : index
    %get3A_95 = vector.load %arg4[%get3A_92, %get3A_93, %get3A_94] : memref<2x1024x768xf32, #tpu.memory_space<vmem>>, vector<1x1024x768xf32>
    %get3A_96 = vector.shape_cast %get3A_95 : vector<1x1024x768xf32> to vector<1024x768xf32>
    %convert_element_type3A_97 = arith.truncf %get3A_96 : vector<1024x768xf32> to vector<1024x768xbf16>
    %get3A_98 = arith.constant 1 : index
    %get3A_99 = arith.constant 0 : index
    %get3A_100 = arith.constant 0 : index
    %get3A_101 = vector.load %arg5[%get3A_98, %get3A_99, %get3A_100] : memref<2x1024x768xf32, #tpu.memory_space<vmem>>, vector<1x1024x768xf32>
    %get3A_102 = vector.shape_cast %get3A_101 : vector<1x1024x768xf32> to vector<1024x768xf32>
    %convert_element_type3A_103 = arith.truncf %get3A_102 : vector<1024x768xf32> to vector<1024x768xbf16>
    %get3A_104 = arith.constant 1 : index
    %get3A_105 = arith.constant 0 : index
    %get3A_106 = arith.constant 0 : index
    %get3A_107 = vector.load %arg6[%get3A_104, %get3A_105, %get3A_106] : memref<2x768x1024xf32, #tpu.memory_space<vmem>>, vector<1x768x1024xf32>
    %get3A_108 = vector.shape_cast %get3A_107 : vector<1x768x1024xf32> to vector<768x1024xf32>
    %convert_element_type3A_109 = arith.truncf %get3A_108 : vector<768x1024xf32> to vector<768x1024xbf16>
    %jit3A_110 = arith.constant 8 : i32
    %div3A_111 = arith.divsi %get3A_89, %jit3A_110 : i32
    %sign3A_112 = arith.constant 0 : i32
    %sign3A_113 = arith.cmpi sgt, %get3A_89, %sign3A_112 : i32
    %sign3A_114 = arith.extui %sign3A_113 : i1 to i32
    %sign3A_115 = arith.constant 0 : i32
    %sign3A_116 = arith.cmpi slt, %get3A_89, %sign3A_115 : i32
    %sign3A_117 = arith.extui %sign3A_116 : i1 to i32
    %sign3A_118 = arith.subi %sign3A_114, %sign3A_117 : i32
    %sign3A_119 = arith.constant 0 : i32
    %sign3A_120 = arith.cmpi sgt, %jit3A_110, %sign3A_119 : i32
    %sign3A_121 = arith.extui %sign3A_120 : i1 to i32
    %sign3A_122 = arith.constant 0 : i32
    %sign3A_123 = arith.cmpi slt, %jit3A_110, %sign3A_122 : i32
    %sign3A_124 = arith.extui %sign3A_123 : i1 to i32
    %sign3A_125 = arith.subi %sign3A_121, %sign3A_124 : i32
    %ne3A_126 = arith.cmpi ne, %sign3A_118, %sign3A_125 : i32
    %rem3A_127 = arith.remsi %get3A_89, %jit3A_110 : i32
    %ne3A_128 = arith.constant 0 : i32
    %ne3A_129 = arith.cmpi ne, %rem3A_127, %ne3A_128 : i32
    %and3A_130 = arith.andi %ne3A_126, %ne3A_129 : i1
    %sub3A_131 = arith.constant 1 : i32
    %sub3A_132 = arith.subi %div3A_111, %sub3A_131 : i32
    %select_n3A_133 = arith.select %and3A_130, %sub3A_132, %div3A_111 : i32
    %mul3A_134 = arith.constant 8 : i32
    %mul3A_135 = arith.muli %select_n3A_133, %mul3A_134 : i32
    %add3A_136 = arith.addi %get3A_89, %get3A_91 : i32
    %sub3A_137 = arith.subi %add3A_136, %mul3A_135 : i32
    %add3A_138 = arith.constant 64 : i32
    %add3A_139 = arith.addi %sub3A_137, %add3A_138 : i32
    %sub3A_140 = arith.constant 1 : i32
    %sub3A_141 = arith.subi %add3A_139, %sub3A_140 : i32
    %jit3A_142 = arith.constant 64 : i32
    %div3A_143 = arith.divsi %sub3A_141, %jit3A_142 : i32
    %sign3A_144 = arith.constant 0 : i32
    %sign3A_145 = arith.cmpi sgt, %sub3A_141, %sign3A_144 : i32
    %sign3A_146 = arith.extui %sign3A_145 : i1 to i32
    %sign3A_147 = arith.constant 0 : i32
    %sign3A_148 = arith.cmpi slt, %sub3A_141, %sign3A_147 : i32
    %sign3A_149 = arith.extui %sign3A_148 : i1 to i32
    %sign3A_150 = arith.subi %sign3A_146, %sign3A_149 : i32
    %sign3A_151 = arith.constant 0 : i32
    %sign3A_152 = arith.cmpi sgt, %jit3A_142, %sign3A_151 : i32
    %sign3A_153 = arith.extui %sign3A_152 : i1 to i32
    %sign3A_154 = arith.constant 0 : i32
    %sign3A_155 = arith.cmpi slt, %jit3A_142, %sign3A_154 : i32
    %sign3A_156 = arith.extui %sign3A_155 : i1 to i32
    %sign3A_157 = arith.subi %sign3A_153, %sign3A_156 : i32
    %ne3A_158 = arith.cmpi ne, %sign3A_150, %sign3A_157 : i32
    %rem3A_159 = arith.remsi %sub3A_141, %jit3A_142 : i32
    %ne3A_160 = arith.constant 0 : i32
    %ne3A_161 = arith.cmpi ne, %rem3A_159, %ne3A_160 : i32
    %and3A_162 = arith.andi %ne3A_158, %ne3A_161 : i1
    %sub3A_163 = arith.constant 1 : i32
    %sub3A_164 = arith.subi %div3A_143, %sub3A_163 : i32
    %select_n3A_165 = arith.select %and3A_162, %sub3A_164, %div3A_143 : i32
    %while3A_166 = arith.constant 0 : i32
    %while3A_167 = arith.constant 0 : i32
    %while3A_168 = arith.subi %select_n3A_165, %while3A_166 : i32
    %while3A_169 = arith.addi %while3A_166, %while3A_168 : i32
    %while3A_170 = arith.constant 1 : i32
    %while3A_171 = arith.divsi %while3A_168, %while3A_170 : i32
    %while3A_172 = arith.muli %while3A_171, %while3A_170 : i32
    %while3A_173 = arith.addi %while3A_166, %while3A_172 : i32
    %while3A_174 = arith.constant 1 : i32
    %while3A_175 = scf.for %while3A_178 = %while3A_166 to %while3A_173 step %while3A_174 iter_args(%while3A_179 = %while3A_167) -> (i32)  : i32 {
      %mul3A_180 = arith.constant 64 : i32
      %mul3A_181 = arith.muli %while3A_178, %mul3A_180 : i32
      %add3A_182 = arith.addi %mul3A_135, %mul3A_181 : i32
      %min3A = arith.constant 1984 : i32
      %min3A_183 = arith.minsi %add3A_182, %min3A : i32
      %multiple_of3A = tpu.assume_multiple %min3A_183, 8 : i32
      %get3A_184 = arith.index_cast %multiple_of3A : i32 to index
      %get3A_185 = arith.constant 0 : index
      %get3A_186 = vector.load %arg3[%get3A_184, %get3A_185] : memref<2048x768xf32, #tpu.memory_space<vmem>>, vector<64x768xf32>
      %convert_element_type3A_187 = arith.truncf %get3A_186 : vector<64x768xf32> to vector<64x768xbf16>
      %dot_general3A = arith.constant dense<0.000000e+00> : vector<64x1024xf32>
      %dot_general3A_188 = tpu.matmul %convert_element_type3A_187, %convert_element_type3A_97, %dot_general3A {dimension_numbers = #tpu.dot_dimension_numbers<[1], [1], [0], [0], [0, 0, 1, 0], [], []>, transpose_lhs_hint = false} : vector<64x768xbf16>, vector<1024x768xbf16>, vector<64x1024xf32> -> vector<64x1024xf32>
      %dot_general3A_189 = arith.constant dense<0.000000e+00> : vector<64x1024xf32>
      %dot_general3A_190 = tpu.matmul %convert_element_type3A_187, %convert_element_type3A_103, %dot_general3A_189 {dimension_numbers = #tpu.dot_dimension_numbers<[1], [1], [0], [0], [0, 0, 1, 0], [], []>, transpose_lhs_hint = false} : vector<64x768xbf16>, vector<1024x768xbf16>, vector<64x1024xf32> -> vector<64x1024xf32>
      %logistic3A = arith.negf %dot_general3A_188 : vector<64x1024xf32>
      %logistic3A_191 = math.exp %logistic3A : vector<64x1024xf32>
      %logistic3A_192 = arith.constant 1.000000e+00 : f32
      %logistic3A_193 = vector.broadcast %logistic3A_192 : f32 to vector<64x1024xf32>
      %logistic3A_194 = arith.addf %logistic3A_193, %logistic3A_191 : vector<64x1024xf32>
      %logistic3A_195 = arith.divf %logistic3A_193, %logistic3A_194 : vector<64x1024xf32>
      %mul3A_196 = arith.mulf %dot_general3A_188, %logistic3A_195 : vector<64x1024xf32>
      %mul3A_197 = arith.mulf %mul3A_196, %dot_general3A_190 : vector<64x1024xf32>
      %convert_element_type3A_198 = arith.truncf %mul3A_197 : vector<64x1024xf32> to vector<64x1024xbf16>
      %dot_general3A_199 = arith.constant dense<0.000000e+00> : vector<64x768xf32>
      %dot_general3A_200 = tpu.matmul %convert_element_type3A_198, %convert_element_type3A_109, %dot_general3A_199 {dimension_numbers = #tpu.dot_dimension_numbers<[1], [1], [0], [0], [0, 0, 1, 0], [], []>, transpose_lhs_hint = false} : vector<64x1024xbf16>, vector<768x1024xbf16>, vector<64x768xf32> -> vector<64x768xf32>
      %iota3A = tpu.iota {dimensions = array<i32: 0>} : vector<64x1xi32>
      %add3A_201 = vector.broadcast %multiple_of3A : i32 to vector<64x1xi32>
      %add3A_202 = arith.addi %add3A_201, %iota3A : vector<64x1xi32>
      %max3A = arith.maxsi %add3A_182, %get3A_89 : i32
      %ge3A = vector.broadcast %max3A : i32 to vector<64x1xi32>
      %ge3A_203 = arith.cmpi sge, %add3A_202, %ge3A : vector<64x1xi32>
      %lt3A = vector.broadcast %add3A_136 : i32 to vector<64x1xi32>
      %lt3A_204 = arith.cmpi slt, %add3A_202, %lt3A : vector<64x1xi32>
      %and3A_205 = arith.andi %ge3A_203, %lt3A_204 : vector<64x1xi1>
      %get3A_206 = arith.index_cast %multiple_of3A : i32 to index
      %get3A_207 = arith.constant 0 : index
      %get3A_208 = vector.load %arg7[%get3A_206, %get3A_207] : memref<2048x768xf32, #tpu.memory_space<vmem>>, vector<64x768xf32>
      %jit3A_209 = arith.constant 0.000000e+00 : f32
      %broadcast_in_dim3A = vector.shape_cast %and3A_205 : vector<64x1xi1> to vector<64x1xi1>
      %broadcast_in_dim3A_210 = vector.broadcast %broadcast_in_dim3A : vector<64x1xi1> to vector<64x768xi1>
      %broadcast_in_dim3A_211 = vector.broadcast %jit3A_209 : f32 to vector<64x768xf32>
      %select_n3A_212 = arith.select %broadcast_in_dim3A_210, %dot_general3A_200, %broadcast_in_dim3A_211 : vector<64x768xi1>, vector<64x768xf32>
      %add3A_213 = arith.addf %get3A_208, %select_n3A_212 : vector<64x768xf32>
      %swap3A = arith.index_cast %multiple_of3A : i32 to index
      %swap3A_214 = arith.constant 0 : index
      %swap3A_215 = vector.load %arg7[%swap3A, %swap3A_214] : memref<2048x768xf32, #tpu.memory_space<vmem>>, vector<64x768xf32>
      tpu.vector_store %arg7[%swap3A, %swap3A_214], %add3A_213 {strides = array<i32>} : memref<2048x768xf32, #tpu.memory_space<vmem>>, vector<64x768xf32>,
      %while3A_216 = arith.constant 0 : i32
      scf.yield %while3A_216 : i32
    }
    %while3A_176 = arith.constant 1 : i32
    %while3A_177 = scf.for %while3A_178 = %while3A_173 to %while3A_169 step %while3A_176 iter_args(%while3A_179 = %while3A_175) -> (i32)  : i32 {
      %mul3A_180 = arith.constant 64 : i32
      %mul3A_181 = arith.muli %while3A_178, %mul3A_180 : i32
      %add3A_182 = arith.addi %mul3A_135, %mul3A_181 : i32
      %min3A = arith.constant 1984 : i32
      %min3A_183 = arith.minsi %add3A_182, %min3A : i32
      %multiple_of3A = tpu.assume_multiple %min3A_183, 8 : i32
      %get3A_184 = arith.index_cast %multiple_of3A : i32 to index
      %get3A_185 = arith.constant 0 : index
      %get3A_186 = vector.load %arg3[%get3A_184, %get3A_185] : memref<2048x768xf32, #tpu.memory_space<vmem>>, vector<64x768xf32>
      %convert_element_type3A_187 = arith.truncf %get3A_186 : vector<64x768xf32> to vector<64x768xbf16>
      %dot_general3A = arith.constant dense<0.000000e+00> : vector<64x1024xf32>
      %dot_general3A_188 = tpu.matmul %convert_element_type3A_187, %convert_element_type3A_97, %dot_general3A {dimension_numbers = #tpu.dot_dimension_numbers<[1], [1], [0], [0], [0, 0, 1, 0], [], []>, transpose_lhs_hint = false} : vector<64x768xbf16>, vector<1024x768xbf16>, vector<64x1024xf32> -> vector<64x1024xf32>
      %dot_general3A_189 = arith.constant dense<0.000000e+00> : vector<64x1024xf32>
      %dot_general3A_190 = tpu.matmul %convert_element_type3A_187, %convert_element_type3A_103, %dot_general3A_189 {dimension_numbers = #tpu.dot_dimension_numbers<[1], [1], [0], [0], [0, 0, 1, 0], [], []>, transpose_lhs_hint = false} : vector<64x768xbf16>, vector<1024x768xbf16>, vector<64x1024xf32> -> vector<64x1024xf32>
      %logistic3A = arith.negf %dot_general3A_188 : vector<64x1024xf32>
      %logistic3A_191 = math.exp %logistic3A : vector<64x1024xf32>
      %logistic3A_192 = arith.constant 1.000000e+00 : f32
      %logistic3A_193 = vector.broadcast %logistic3A_192 : f32 to vector<64x1024xf32>
      %logistic3A_194 = arith.addf %logistic3A_193, %logistic3A_191 : vector<64x1024xf32>
      %logistic3A_195 = arith.divf %logistic3A_193, %logistic3A_194 : vector<64x1024xf32>
      %mul3A_196 = arith.mulf %dot_general3A_188, %logistic3A_195 : vector<64x1024xf32>
      %mul3A_197 = arith.mulf %mul3A_196, %dot_general3A_190 : vector<64x1024xf32>
      %convert_element_type3A_198 = arith.truncf %mul3A_197 : vector<64x1024xf32> to vector<64x1024xbf16>
      %dot_general3A_199 = arith.constant dense<0.000000e+00> : vector<64x768xf32>
      %dot_general3A_200 = tpu.matmul %convert_element_type3A_198, %convert_element_type3A_109, %dot_general3A_199 {dimension_numbers = #tpu.dot_dimension_numbers<[1], [1], [0], [0], [0, 0, 1, 0], [], []>, transpose_lhs_hint = false} : vector<64x1024xbf16>, vector<768x1024xbf16>, vector<64x768xf32> -> vector<64x768xf32>
      %iota3A = tpu.iota {dimensions = array<i32: 0>} : vector<64x1xi32>
      %add3A_201 = vector.broadcast %multiple_of3A : i32 to vector<64x1xi32>
      %add3A_202 = arith.addi %add3A_201, %iota3A : vector<64x1xi32>
      %max3A = arith.maxsi %add3A_182, %get3A_89 : i32
      %ge3A = vector.broadcast %max3A : i32 to vector<64x1xi32>
      %ge3A_203 = arith.cmpi sge, %add3A_202, %ge3A : vector<64x1xi32>
      %lt3A = vector.broadcast %add3A_136 : i32 to vector<64x1xi32>
      %lt3A_204 = arith.cmpi slt, %add3A_202, %lt3A : vector<64x1xi32>
      %and3A_205 = arith.andi %ge3A_203, %lt3A_204 : vector<64x1xi1>
      %get3A_206 = arith.index_cast %multiple_of3A : i32 to index
      %get3A_207 = arith.constant 0 : index
      %get3A_208 = vector.load %arg7[%get3A_206, %get3A_207] : memref<2048x768xf32, #tpu.memory_space<vmem>>, vector<64x768xf32>
      %jit3A_209 = arith.constant 0.000000e+00 : f32
      %broadcast_in_dim3A = vector.shape_cast %and3A_205 : vector<64x1xi1> to vector<64x1xi1>
      %broadcast_in_dim3A_210 = vector.broadcast %broadcast_in_dim3A : vector<64x1xi1> to vector<64x768xi1>
      %broadcast_in_dim3A_211 = vector.broadcast %jit3A_209 : f32 to vector<64x768xf32>
      %select_n3A_212 = arith.select %broadcast_in_dim3A_210, %dot_general3A_200, %broadcast_in_dim3A_211 : vector<64x768xi1>, vector<64x768xf32>
      %add3A_213 = arith.addf %get3A_208, %select_n3A_212 : vector<64x768xf32>
      %swap3A = arith.index_cast %multiple_of3A : i32 to index
      %swap3A_214 = arith.constant 0 : index
      %swap3A_215 = vector.load %arg7[%swap3A, %swap3A_214] : memref<2048x768xf32, #tpu.memory_space<vmem>>, vector<64x768xf32>
      tpu.vector_store %arg7[%swap3A, %swap3A_214], %add3A_213 {strides = array<i32>} : memref<2048x768xf32, #tpu.memory_space<vmem>>, vector<64x768xf32>,
      %while3A_216 = arith.constant 0 : i32
      scf.yield %while3A_216 : i32
    }
    return
  }
  func.func @transform_0(%arg0: i32) -> i32 {
    %c0_i32 = arith.constant 0 : i32
    %c0_i32_0 = arith.constant 0 : i32
    return %c0_i32 : i32
  }
  func.func @transform_1(%arg0: i32) -> i32 {
    %c0_i32 = arith.constant 0 : i32
    %c0_i32_0 = arith.constant 0 : i32
    return %c0_i32 : i32
  }
  func.func @transform_2(%arg0: i32) -> (i32, i32) {
    %c0_i32 = arith.constant 0 : i32
    %c0_i32_0 = arith.constant 0 : i32
    %c0_i32_1 = arith.constant 0 : i32
    return %c0_i32, %c0_i32_0 : i32, i32
  }
  func.func @transform_3(%arg0: i32) -> (i32, i32, i32) {
    %c0_i32 = arith.constant 0 : i32
    %c0_i32_0 = arith.constant 0 : i32
    %c0_i32_1 = arith.constant 0 : i32
    return %arg0, %c0_i32, %c0_i32_0 : i32, i32, i32
  }
  func.func @transform_4(%arg0: i32) -> (i32, i32, i32) {
    %c0_i32 = arith.constant 0 : i32
    %c0_i32_0 = arith.constant 0 : i32
    %c0_i32_1 = arith.constant 0 : i32
    return %arg0, %c0_i32, %c0_i32_0 : i32, i32, i32
  }
  func.func @transform_5(%arg0: i32) -> (i32, i32, i32) {
    %c0_i32 = arith.constant 0 : i32
    %c0_i32_0 = arith.constant 0 : i32
    %c0_i32_1 = arith.constant 0 : i32
    return %arg0, %c0_i32, %c0_i32_0 : i32, i32, i32
  }
  func.func @transform_6(%arg0: i32) -> (i32, i32) {
    %c0_i32 = arith.constant 0 : i32
    %c0_i32_0 = arith.constant 0 : i32
    %c0_i32_1 = arith.constant 0 : i32
    return %c0_i32, %c0_i32_0 : i32, i32
  }
}

</mosaic_0001>

<sc_bundles>
// kernel: kernel.6.cloned.1.call-start
scs
__scs_entry_jumppad:
0x0: {  	(pc) =	sbr.rel $0x88, $3  }
0x1: {  	(tag) =	ssettag $0x0;
	lr =	simm.s32 $0x1  }
0x2: {  	[smem:$0x3F9C] =	sst lr;
	_ =	strace $0xD0000000  }
0x3: {  	_ = 	snop  }
0x4: {  	_ = 	snop  }
0x5: {  	_ = 	snop  }
0x6: {  	_ = 	snop  }
0x7: {  	_ = 	snop  }
__scs_overlays_trampoline_lowered:
0x8: {  	[smem:$0x3FAB] =	sst s0  }
0x9: {  	[smem:$0x3FAC] =	sst s1  }
0xa: {  	[smem:$0x3FAD] =	sst s2  }
0xb: {  	[smem:$0x3FAE] =	sst s3  }
0xc: {  	[smem:$0x3FAF] =	sst s4  }
0xd: {  	[smem:$0x3FB0] =	sst s5  }
0xe: {  	[smem:$0x3FB1] =	sst s6  }
0xf: {  	[smem:$0x3FB2] =	sst s7  }
0x10: {  	[smem:$0x3FB3] =	sst s8  }
0x11: {  	[smem:$0x3FB4] =	sst s9;
	s0 =	simm.s32 @!p0 $0x0  }
0x12: {  	s1 =	sld [smem:$0x3F9A];
	s0 =	simm.s32 @p0 $0x1  }
0x13: {  	[smem:$0x3FB5] =	sst s0;
	s0 =	simm.s32 @!p1 $0x0  }
0x14: {  	s2 =	sld [smem:$0x3F99];
	s0 =	simm.s32 @p1 $0x1  }
0x15: {  	[smem:$0x3FB6] =	sst s0;
	s0 =	simm.s32 @!p2 $0x0  }
0x16: {  	s3 =	sld [smem:$0x3FDB];
	s0 =	simm.s32 @p2 $0x1  }
0x17: {  	s4 =	simm.s32 $0x1BF5;
	[smem:$0x3FB8] =	sst s0  }
0x18: {  	s0 =	sld [smem:$0x3F9B];
	_ =	swait.ge [sflag:s4], $0x0  }
0x19: {  	s7 =	sld [smem:$0x3F9C]  }
0x1a: {  	s8 =	sadd.s32 $0xFFFFE003, lr  }
0x1b: {  	s9 =	sadd.s32 $0xFFFFFEF7, lr;
	s5 =	simm.s32 $0xFFFFFFFF;
	p2 =	slt.u32 s8, $0xFFFFF086  }
0x1c: {  	p1 =	slt.u32 s9, $0xF7A;
	s5 =	simm.s32 @!p2 $0x0  }
0x1d: {  	s5 =	simm.s32 @p1 $0x1;
	p0 =	seq.s32 s7, s2  }
0x1e: {  	s7 =	smul.u32 @!p0 $0xF7A, s2;
	p2 =	seq.s32 @!p0 s5, $0x0  }
0x1f: {  	s9 =	smul.u32 $0xF7A, s1;
	s8 =	simm.s32 @!p0 $0x1BF5;
	p2 =	por !p2, p0  }
0x20: {  	[sflag:s8] =	ssyncset.s32 @!p0 $0xFFFFF086;
	s6 =	sadd.s32 @!p0 s3, s7;
	s7 =	simm.s32 @!p0 $0x108  }
0x21: {  	s3 =	sadd.s32 s3, s9;
	s6 =	sadd.s32 @!p0 $0x88, s6;
	s7 =	simm.s32 @p2 $0x1082  }
0x22: {  	[simem:s7], [sflag:s8] =	dma.local @!p0 [hbm:s6], $0xF7A  }
0x23: {  	s9 =	sor.u32 $0xD0000000, s2;
	s6 =	simm.s32 $0x108;
	_ =	swait.ge @!p0 [sflag:s8], $0x0  }
0x24: {  	s3 =	sadd.s32 $0x88, s3;
	s6 =	simm.s32 @!p1 $0x1082;
	[sflag:s4] =	ssyncset.s32 $0xFFFFF086  }
0x25: {  	[simem:s6], [sflag:s4] =	dma.local [hbm:s3], $0xF7A  }
0x26: {  	[smem:$0x3F9C] =	sst s1;
	(tag) =	ssettag s2;
	_ =	strace s9  }
0x27: {  	s1 =	sld [smem:$0x3FAC]  }
0x28: {  	s2 =	sld [smem:$0x3FAD]  }
0x29: {  	s4 =	sld [smem:$0x3FAF]  }
0x2a: {  	p0 =	seq.s32 s5, $0x0;
	s5 =	sld [smem:$0x3FB0]  }
0x2b: {  	s6 =	sld [smem:$0x3FB1]  }
0x2c: {  	s7 =	sld [smem:$0x3FB2]  }
0x2d: {  	s3 =	simm.s32 $0x108;
	s8 =	sld [smem:$0x3FB3]  }
0x2e: {  	s3 =	simm.s32 @!p0 $0x1082;
	s9 =	sld [smem:$0x3FB4]  }
0x2f: {  	lr =	sadd.s32 s0, s3;
	s0 =	sld [smem:$0x3FAB]  }
0x30: {  	s3 =	sld [smem:$0x3FAE]  }
0x31: {  	[smem:$0x3FB7] =	sst s10  }
0x32: {  	s10 =	sld [smem:$0x3FB5];
	_ =	sdelay $0x3  }
0x33: {  	p0 =	seq.s32 s10, $0x1;
	s10 =	sld [smem:$0x3FB7];
	_ =	sdelay $0x3  }
0x34: {  	[smem:$0x3FB7] =	sst s10  }
0x35: {  	s10 =	sld [smem:$0x3FB6];
	_ =	sdelay $0x3  }
0x36: {  	p1 =	seq.s32 s10, $0x1;
	s10 =	sld [smem:$0x3FB7];
	_ =	sdelay $0x3  }
0x37: {  	[smem:$0x3FB7] =	sst s10  }
0x38: {  	s10 =	sld [smem:$0x3FB8]  }
0x39: {  	_ = 	snop;
	(pc) =	sbr.ind lr, $3  }
0x3a: {  	_ = 	snop  }
0x3b: {  	_ = 	snop  }
0x3c: {  	p2 =	seq.s32 s10, $0x1;
	s10 =	sld [smem:$0x3FB7]  }
0x3d: {  	_ =	shalt  }
0x3e: {  	_ =	shalt  }
0x3f: {  	_ =	shalt  }
0x40: {  	_ =	shalt  }
0x41: {  	_ =	shalt  }
0x42: {  	_ =	shalt  }
0x43: {  	_ =	shalt  }
0x44: {  	_ =	shalt  }
0x45: {  	_ =	shalt  }
0x46: {  	_ =	shalt  }
0x47: {  	_ =	shalt  }
0x48: {  	_ =	shalt  }
0x49: {  	_ =	shalt  }
0x4a: {  	_ =	shalt  }
0x4b: {  	_ =	shalt  }
0x4c: {  	_ =	shalt  }
0x4d: {  	_ =	shalt  }
0x4e: {  	_ =	shalt  }
0x4f: {  	_ =	shalt  }
0x50: {  	_ =	shalt  }
0x51: {  	_ =	shalt  }
0x52: {  	_ =	shalt  }
0x53: {  	_ =	shalt  }
0x54: {  	_ =	shalt  }
0x55: {  	_ =	shalt  }
0x56: {  	_ =	shalt  }
0x57: {  	_ =	shalt  }
0x58: {  	_ =	shalt  }
0x59: {  	_ =	shalt  }
0x5a: {  	_ =	shalt  }
0x5b: {  	_ =	shalt  }
0x5c: {  	_ =	shalt  }
0x5d: {  	_ =	shalt  }
0x5e: {  	_ =	shalt  }
0x5f: {  	_ =	shalt  }
0x60: {  	_ =	shalt  }
0x61: {  	_ =	shalt  }
0x62: {  	_ =	shalt  }
0x63: {  	_ =	shalt  }
0x64: {  	_ =	shalt  }
0x65: {  	_ =	shalt  }
0x66: {  	_ =	shalt  }
0x67: {  	_ =	shalt  }
0x68: {  	_ =	shalt  }
0x69: {  	_ =	shalt  }
0x6a: {  	_ =	shalt  }
0x6b: {  	_ =	shalt  }
0x6c: {  	_ =	shalt  }
0x6d: {  	_ =	shalt  }
0x6e: {  	_ =	shalt  }
0x6f: {  	_ =	shalt  }
0x70: {  	_ =	shalt  }
0x71: {  	_ =	shalt  }
0x72: {  	_ =	shalt  }
0x73: {  	_ =	shalt  }
0x74: {  	_ =	shalt  }
0x75: {  	_ =	shalt  }
0x76: {  	_ =	shalt  }
0x77: {  	_ =	shalt  }
0x78: {  	_ =	shalt  }
0x79: {  	_ =	shalt  }
0x7a: {  	_ =	shalt  }
0x7b: {  	_ =	shalt  }
0x7c: {  	_ =	shalt  }
0x7d: {  	_ =	shalt  }
0x7e: {  	_ =	shalt  }
0x7f: {  	_ =	shalt  }
0x80: {  	_ =	shalt  }
0x81: {  	_ =	shalt  }
0x82: {  	_ =	shalt  }
0x83: {  	_ =	shalt  }
0x84: {  	_ =	shalt  }
0x85: {  	_ =	shalt  }
0x86: {  	_ =	shalt  }
0x87: {  	_ =	shalt  }
.Lfunc_end0:
.L_simem_size_0:
called_computation_lowered:
.L_overlay_start_0:
0x88: {  	s2 =	sld [smem:$0x3FD9]  }
0x89: {  	s3 =	sld [smem:$0x3FFE];
	_ =	sdelay $0x1  }
0x8a: {  	s1 =	srdreg.scid  }
0x8b: {  	s0 =	sand.u32 $0x1, s1  }
0x8c: {  	s17 =	sshll.u32 s0, $0xA;
	s2 =	sadd.s32 s3, s2  }
0x8d: {  	s2 =	sadd.s32 s2, s17  }
0x8e: {  	[smem:$0x3FC3] =	sst s2  }
0x8f: {  	_ = 	snop  }
0x90: {  	s2 =	sld [smem:$0x3FC9]  }
0x91: {  	s18 =	sld [smem:$0x3FD0];
	(tm) =	ssettm $0x1  }
0x92: {  	s4 =	sld [smem:$0x3FFB];
	_ =	sdelay $0x3  }
0x93: {  	_ =	strace s4  }
0x94: {  	s4 =	sld [smem:$0x3FFC];
	_ =	sdelay $0x3  }
0x95: {  	_ =	strace s4  }
0x96: {  	s4 =	sld [smem:$0x3FFD];
	_ =	sdelay $0x3  }
0x97: {  	_ =	strace s4  }
0x98: {  	_ =	strace $0x8FFFFFFF  }
0x99: {  	s19 =	sld [smem:$0x3FDB];
	_ =	sdelay $0x1  }
0x9a: {  	s5 =	simm.s32 $_scs_section_size  }
0x9b: {  	s6 =	simm.s32 $_size__tile_overlayer_lowered;
	s7 =	simm.s32 $_tile_overlayer_lowered  }
0x9c: {  	s22 =	simm.s32 $0x1BFF;
	s21 =	sshll.u32 s7, $0x1;
	s4 =	sadd.s32 s5, s19  }
0x9d: {  	s8 =	simm.s32 $0x0;
	s20 =	sshll.u32 s6, $0x1;
	s6 =	sadd.s32 s21, s4  }
0x9e: {  	[timem:s8], [sflag:s22] =	dma.local [hbm:s6], s20  }
0x9f: {  	_ =	swait.ge [sflag:s22], s20  }
0xa0: {  	s5 =	ssub.s32 $0x0, s20;
	[sflag:s22] =	ssyncset.done $0x0  }
0xa1: {  	[sflag:s22] =	ssyncadd.s32 s5;
	_ =	sdelay $0x1  }
0xa2: {  	s23 =	simm.s32 $0x1B8B  }
0xa3: {  	_ =	swait.ge [sflag:s23], $0x1  }
0xa4: {  	[sflag:s23] =	ssyncset.done $0x0  }
0xa5: {  	s25 =	simm.s32 $0x1B8E;
	s24 =	sld [smem:$0x3FFE];
	[sflag:s23] =	ssyncadd.s32 $0xFFFFFFFF  }
0xa6: {  	s26 =	simm.s32 $execute0_lowered;
	[smem:$0x3FD2] =	sst s25  }
0xa7: {  	s6 =	sshll.u32 s26, $0x1;
	_ =	strace $0x80000046;
	[dreg:$0x1] =	wrdreg $0xFFFFFFFF  }
0xa8: {  	s28 =	simm.s32 $_size_execute0_lowered;
	s4 =	sadd.s32 s4, s6;
	[dreg:$0x0] =	wrdreg $0x0  }
0xa9: {  	s6 =	sshll.u32 s28, $0x1;
	[dreg:$0x2] =	wrdreg s4  }
0xaa: {  	[dreg:$0x3] =	wrdreg s6  }
0xab: {  	[dreg:$0x4] =	wrdreg $0xC0  }
0xac: {  	_ =	task [dreg:s8], $0x5FFFF  }
0xad: {  	[dreg:$0x1] =	wrdreg $0xFFFFFFFF  }
0xae: {  	[dreg:$0x0] =	wrdreg $0x60  }
0xaf: {  	[dreg:$0x2] =	wrdreg s2  }
0xb0: {  	[dreg:$0x3] =	wrdreg s24  }
0xb1: {  	[dreg:$0x4] =	wrdreg s18  }
0xb2: {  	[dreg:$0x5] =	wrdreg $0x9  }
0xb3: {  	_ =	task.clear_ibuf [dreg:s8], $0x6FFFF;
	_ =	strace $0x90000046  }
0xb4: {  	s29 =	simm.s32 $0x9;
	_ =	strace $0x80000048  }
0xb5: {  	_ =	swait.ge [sflag:s29], $0x1  }
0xb6: {  	[sflag:s29] =	ssyncadd.s32 $0xFFFFFFFF  }
0xb7: {  	_ =	strace $0x90000048  }
0xb8: {  	_ =	sfence  }
0xb9: {  	s30 =	sld [smem:$0x0];
	_ =	sdelay $0x2  }
0xba: {  	s31 =	sshll.u32 s1, $0xD;
	s1 =	sshrl.u32 s1, $0x2  }
0xbb: {  	s3 =	sand.u32 $0x4000, s31;
	s1 =	sadd.s32 s1, s30  }
0xbc: {  	s0 =	sor.u32 s3, s0;
	s1 =	sshll.u32 s1, $0x11  }
0xbd: {  	s0 =	sor.u32 s1, s0  }
0xbe: {  	s0 =	sadd.s32 $0x8F2B, s0  }
0xbf: {  	[sflag:s0] =	ssyncadd.remote.s32 $0x1  }
0xc0: {  	_ =	sfence.sel $0xFFFF  }
0xc1: {  	[dreg:$0x0] =	wrdreg $0xFFFFFFFF;
	(pc) =	sbr.abs _section_cstart, $3  }
0xc2: {  	[dreg:$0x1] =	wrdreg $0xFFFFFFFF  }
0xc3: {  	_ =	task.clear_ibuf [dreg:s8], $0x2FFFF;
	_ =	strace $0x9FFFFFFF  }
0xc4: {  	(tm) =	ssettm $0x7FFFFFFF  }
0xc5: {  	_ =	shalt  }
tec
execute0_lowered:
.L_overlay_start_1:
0x0: {  	(tag) =	ssettag $0x1  }
0x1: {  	s0 =	rddreg [dreg:$0x0]  }
0x2: {  	s4 =	rddreg [dreg:$0x1]  }
0x3: {  	s2 =	rddreg [dreg:$0x2];
	s5 =	srdreg.scid  }
0x4: {  	s3 =	simm.s32 $0x0;
	s1 =	stileid.u32;
	s23 =	simm.s32 $0x80  }
0x5: {  	s24 =	simm.s32 $0x900;
	s25 =	simm.s32 $0x1100;
	s26 =	simm.s32 $0x1900  }
0x6: {  	s9 =	simm.s32 $0x1;
	s10 =	simm.s32 $0x3;
	s13 =	simm.s32 $0x3100  }
0x7: {  	s14 =	simm.s32 $0x3900;
	s15 =	simm.s32 $0x4100;
	s16 =	simm.s32 $0x4900  }
0x8: {  	s17 =	simm.s32 $0x5100;
	s18 =	simm.s32 $0x5900;
	s19 =	simm.s32 $0x2  }
0x9: {  	s28 =	simm.s32 $0x9900;
	s29 =	simm.s32 $0xA100;
	[smem:$0x7FF] =	sst s3  }
0xa: {  	s30 =	simm.s32 $0xA900;
	_ =	strace $0x80000047;
	[dreg:$0x8] =	wrdreg s23  }
0xb: {  	s31 =	simm.s32 $0xB100;
	s5 =	sand.u32 $0x1, s5;
	[dreg:$0x9] =	wrdreg s24  }
0xc: {  	s6 =	sshll.u32 s1, $0x4;
	s4 =	sadd.s32 $0xE00, s4;
	[dreg:$0xa] =	wrdreg s25  }
0xd: {  	s7 =	sshll.u32 s5, $0x3;
	s5 =	ssub.s32 $0x2, s5;
	[dreg:$0xb] =	wrdreg s26  }
0xe: {  	s23 =	simm.s32 $0x7900;
	s24 =	simm.s32 $0x8100;
	s25 =	simm.s32 $0x8900  }
0xf: {  	s26 =	simm.s32 $0x9100;
	s6 =	sor.u32 s7, s6;
	s22 =	sshrl.u32 s5, $0x1  }
0x10: {  	s7 =	sadd.s32 s4, s6;
	s8 =	sor.u32 $0x4, s6;
	s6 =	smul.u32 $0x300, s6  }
0x11: {  	[dreg:$0x4] =	wrdreg s7;
	s4 =	sadd.s32 s4, s8;
	s20 =	smul.u32 $0x300, s8  }
0x12: {  	s7 =	simm.s32 $0x100;
	s8 =	simm.s32 $0x6100;
	[dreg:$0x5] =	wrdreg s4  }
0x13: {  	s21 =	sadd.s32 s0, s6;
	s6 =	ssub.s32 s5, s22;
	s4 =	sadd.s32 $0x100, s2  }
0x14: {  	v2 =	vlaneseq.u32;
	s5 =	sadd.s32 $0x200, s2;
	s22 =	simm.s32 $0x7100;
	[dreg:$0x6] =	wrdreg s21  }
0x15: {  	vm0 =	vmmov $0xffff;
	v1 =	vshrl.u32 v2, $0x3;
	s0 =	sadd.s32 s0, s20;
	s6 =	smax.u32 s6, $0x1;
	s20 =	simm.s32 $0x4  }
0x16: {  	v0 =	vand.u32 $0x7, v2;
	v2 =	vor.u32 $0x8, v2;
	v1 =	vmul.u32 $0x8, v1;
	s21 =	simm.s32 $0x6900;
	[dreg:$0x7] =	wrdreg s0;
	s0 =	simm.s32 $0xB900  }
.LBB2_1:
0x17: {  	s1 =	rddreg [dreg:$0x4]  }
0x18: {  	s11 =	rddreg [dreg:$0x5]  }
0x19: {  	[tilespmem:s3], [sflag:$0x1] =	stream.linear.gather [hbm4b:s1+s3], $0x20, $0x38;
	[tilespmem:$0xC100] =	vst v63  }
0x1a: {  	s12 =	rddreg [dreg:$0x8]  }
0x1b: {  	[tilespmem:s12], [sflag:$0x2] =	stream.linear.gather [hbm4b:s11+s3], $0x20, $0x38;
	[tilespmem:$0xC100] =	vst v63  }
0x1c: {  	s1 =	rddreg [dreg:$0x6]  }
0x1d: {  	[tilespmem:s7], [sflag:$0x3] =	stream.linear.gather [hbm4b:s1+s3], $0x6000, $0x38;
	[tilespmem:$0xC100] =	vst v63  }
0x1e: {  	s12 =	rddreg [dreg:$0x7]  }
0x1f: {  	[tilespmem:s8], [sflag:$0x4] =	stream.linear.gather [hbm4b:s12+s3], $0x6000, $0x38;
	[tilespmem:$0xC100] =	vst v63  }
0x20: {  	_ =	swait.ge [sflag:s9], $0x20  }
0x21: {  	[sflag:s9] =	ssyncset.done $0x0  }
0x22: {  	[sflag:s9] =	ssyncadd.s32 $0xFFFFFFE0  }
0x23: {  	_ =	swait.ge [sflag:s10], $0x6000  }
0x24: {  	[sflag:s10] =	ssyncset.done $0x0  }
0x25: {  	[sflag:s10] =	ssyncadd.s32 $0xFFFFA000  }
0x26: {  	v3 =	vld [tilespmem:$0x0];
	_ =	sdelay $0x4  }
0x27: {  	v4 =	vshrl.u32 v3, $0x3  }
0x28: {  	v4 =	vmul.u32 $0x30, v4  }
0x29: {  	v3 =	vand.u32 $0x7, v3  }
0x2a: {  	v3 =	vor.u32 v3, v4  }
0x2b: {  	v4 =	vperm.xlane v3, v0;
	_ =	sdelay $0x1  }
0x2c: {  	v4 =	vadd.s32 v1, v4;
	_ =	sdelay $0x3  }
0x2d: {  	v3 =	vperm.xlane v3, v2  }
0x2e: {  	[hbm4b:s2+s3] =	stream.indirect_vreg.scatter [tilespmem:s7], [sflag:$0x1], $0x80, v4, vm0, $0xb8;
	[tilespmem:$0xC100] =	vst v63  }
0x2f: {  	s12 =	rddreg [dreg:$0x9];
	v3 =	vadd.s32 v1, v3  }
0x30: {  	[hbm4b:s4+s3] =	stream.indirect_vreg.scatter [tilespmem:s12], [sflag:$0x1], $0x80, v4, vm0, $0xb8;
	[tilespmem:$0xC100] =	vst v63  }
0x31: {  	s11 =	rddreg [dreg:$0xa]  }
0x32: {  	[hbm4b:s5+s3] =	stream.indirect_vreg.scatter [tilespmem:s11], [sflag:$0x1], $0x80, v4, vm0, $0xb8;
	[tilespmem:$0xC100] =	vst v63  }
0x33: {  	s12 =	rddreg [dreg:$0xb]  }
0x34: {  	[hbm4b:s2+s3] =	stream.indirect_vreg.scatter [tilespmem:s12], [sflag:$0x1], $0x80, v3, vm0, $0xb8;
	[tilespmem:$0xC100] =	vst v63  }
0x35: {  	s11 =	simm.s32 $0x2100  }
0x36: {  	[hbm4b:s4+s3] =	stream.indirect_vreg.scatter [tilespmem:s11], [sflag:$0x1], $0x80, v3, vm0, $0xb8;
	[tilespmem:$0xC100] =	vst v63  }
0x37: {  	s12 =	simm.s32 $0x2900  }
0x38: {  	[hbm4b:s5+s3] =	stream.indirect_vreg.scatter [tilespmem:s12], [sflag:$0x1], $0x80, v3, vm0, $0xb8;
	[tilespmem:$0xC100] =	vst v63  }
0x39: {  	v3 =	vld [tilespmem:$0x10];
	_ =	sdelay $0x4  }
0x3a: {  	v61 =	vshrl.u32 v3, $0x3  }
0x3b: {  	v4 =	vmul.u32 $0x30, v61  }
0x3c: {  	v3 =	vand.u32 $0x7, v3  }
0x3d: {  	v3 =	vor.u32 v3, v4  }
0x3e: {  	v4 =	vperm.xlane v3, v0;
	_ =	sdelay $0x1  }
0x3f: {  	v4 =	vadd.s32 v1, v4;
	_ =	sdelay $0x3  }
0x40: {  	v3 =	vperm.xlane v3, v2  }
0x41: {  	[hbm4b:s2+s3] =	stream.indirect_vreg.scatter [tilespmem:s13], [sflag:$0x1], $0x80, v4, vm0, $0xb8;
	[tilespmem:$0xC100] =	vst v63  }
0x42: {  	v3 =	vadd.s32 v1, v3  }
0x43: {  	[hbm4b:s4+s3] =	stream.indirect_vreg.scatter [tilespmem:s14], [sflag:$0x1], $0x80, v4, vm0, $0xb8;
	[tilespmem:$0xC100] =	vst v63  }
0x44: {  	_ = 	snop  }
0x45: {  	[hbm4b:s5+s3] =	stream.indirect_vreg.scatter [tilespmem:s15], [sflag:$0x1], $0x80, v4, vm0, $0xb8;
	[tilespmem:$0xC100] =	vst v63  }
0x46: {  	_ = 	snop  }
0x47: {  	[hbm4b:s2+s3] =	stream.indirect_vreg.scatter [tilespmem:s16], [sflag:$0x1], $0x80, v3, vm0, $0xb8;
	[tilespmem:$0xC100] =	vst v63  }
0x48: {  	_ = 	snop  }
0x49: {  	[hbm4b:s4+s3] =	stream.indirect_vreg.scatter [tilespmem:s17], [sflag:$0x1], $0x80, v3, vm0, $0xb8;
	[tilespmem:$0xC100] =	vst v63  }
0x4a: {  	_ = 	snop  }
0x4b: {  	[hbm4b:s5+s3] =	stream.indirect_vreg.scatter [tilespmem:s18], [sflag:$0x1], $0x80, v3, vm0, $0xb8;
	[tilespmem:$0xC100] =	vst v63  }
0x4c: {  	_ =	swait.ge [sflag:s19], $0x20  }
0x4d: {  	[sflag:s19] =	ssyncset.done $0x0  }
0x4e: {  	[sflag:s19] =	ssyncadd.s32 $0xFFFFFFE0  }
0x4f: {  	_ =	swait.ge [sflag:s20], $0x6000  }
0x50: {  	[sflag:s20] =	ssyncset.done $0x0  }
0x51: {  	[sflag:s20] =	ssyncadd.s32 $0xFFFFA000  }
0x52: {  	v3 =	vld [tilespmem:$0x80];
	_ =	sdelay $0x4  }
0x53: {  	v62 =	vshrl.u32 v3, $0x3  }
0x54: {  	v4 =	vmul.u32 $0x30, v62  }
0x55: {  	v3 =	vand.u32 $0x7, v3  }
0x56: {  	v3 =	vor.u32 v3, v4  }
0x57: {  	v4 =	vperm.xlane v3, v0;
	_ =	sdelay $0x1  }
0x58: {  	v4 =	vadd.s32 v1, v4;
	_ =	sdelay $0x3  }
0x59: {  	v3 =	vperm.xlane v3, v2  }
0x5a: {  	[hbm4b:s2+s3] =	stream.indirect_vreg.scatter [tilespmem:s8], [sflag:$0x2], $0x80, v4, vm0, $0xb8;
	[tilespmem:$0xC100] =	vst v63  }
0x5b: {  	v3 =	vadd.s32 v1, v3  }
0x5c: {  	[hbm4b:s4+s3] =	stream.indirect_vreg.scatter [tilespmem:s21], [sflag:$0x2], $0x80, v4, vm0, $0xb8;
	[tilespmem:$0xC100] =	vst v63  }
0x5d: {  	_ = 	snop  }
0x5e: {  	[hbm4b:s5+s3] =	stream.indirect_vreg.scatter [tilespmem:s22], [sflag:$0x2], $0x80, v4, vm0, $0xb8;
	[tilespmem:$0xC100] =	vst v63  }
0x5f: {  	_ = 	snop  }
0x60: {  	[hbm4b:s2+s3] =	stream.indirect_vreg.scatter [tilespmem:s23], [sflag:$0x2], $0x80, v3, vm0, $0xb8;
	[tilespmem:$0xC100] =	vst v63  }
0x61: {  	_ = 	snop  }
0x62: {  	[hbm4b:s4+s3] =	stream.indirect_vreg.scatter [tilespmem:s24], [sflag:$0x2], $0x80, v3, vm0, $0xb8;
	[tilespmem:$0xC100] =	vst v63  }
0x63: {  	_ = 	snop  }
0x64: {  	[hbm4b:s5+s3] =	stream.indirect_vreg.scatter [tilespmem:s25], [sflag:$0x2], $0x80, v3, vm0, $0xb8;
	[tilespmem:$0xC100] =	vst v63  }
0x65: {  	v3 =	vld [tilespmem:$0x90];
	_ =	sdelay $0x4  }
0x66: {  	v63 =	vshrl.u32 v3, $0x3  }
0x67: {  	v4 =	vmul.u32 $0x30, v63  }
0x68: {  	v3 =	vand.u32 $0x7, v3  }
0x69: {  	v3 =	vor.u32 v3, v4  }
0x6a: {  	v4 =	vperm.xlane v3, v0;
	_ =	sdelay $0x1  }
0x6b: {  	v4 =	vadd.s32 v1, v4;
	_ =	sdelay $0x3  }
0x6c: {  	v3 =	vperm.xlane v3, v2  }
0x6d: {  	[hbm4b:s2+s3] =	stream.indirect_vreg.scatter [tilespmem:s26], [sflag:$0x2], $0x80, v4, vm0, $0xb8;
	[tilespmem:$0xC100] =	vst v63  }
0x6e: {  	v3 =	vadd.s32 v1, v3  }
0x6f: {  	[hbm4b:s4+s3] =	stream.indirect_vreg.scatter [tilespmem:s28], [sflag:$0x2], $0x80, v4, vm0, $0xb8;
	[tilespmem:$0xC100] =	vst v63  }
0x70: {  	_ = 	snop  }
0x71: {  	[hbm4b:s5+s3] =	stream.indirect_vreg.scatter [tilespmem:s29], [sflag:$0x2], $0x80, v4, vm0, $0xb8;
	[tilespmem:$0xC100] =	vst v63  }
0x72: {  	_ = 	snop  }
0x73: {  	[hbm4b:s2+s3] =	stream.indirect_vreg.scatter [tilespmem:s30], [sflag:$0x2], $0x80, v3, vm0, $0xb8;
	[tilespmem:$0xC100] =	vst v63  }
0x74: {  	_ = 	snop  }
0x75: {  	[hbm4b:s4+s3] =	stream.indirect_vreg.scatter [tilespmem:s31], [sflag:$0x2], $0x80, v3, vm0, $0xb8;
	[tilespmem:$0xC100] =	vst v63  }
0x76: {  	_ = 	snop  }
0x77: {  	[hbm4b:s5+s3] =	stream.indirect_vreg.scatter [tilespmem:s0], [sflag:$0x2], $0x80, v3, vm0, $0xb8;
	[tilespmem:$0xC100] =	vst v63  }
0x78: {  	p0 =	sne.s32 s6, $0x1;
	_ =	swait.ge [sflag:s9], $0x6000  }
.Ltmp0:
0x79: {  	[sflag:s9] =	ssyncset.done $0x0;
	(pc) =	sbr.rel @p0 .LBB2_1-.Ltmp0, $4  }
0x7a: {  	[sflag:s9] =	ssyncadd.s32 $0xFFFFA000  }
0x7b: {  	_ =	swait.ge [sflag:s19], $0x6000  }
0x7c: {  	[sflag:s19] =	ssyncset.done $0x0  }
0x7d: {  	s6 =	sadd.s32 $0xFFFFFFFF, s6;
	[sflag:s19] =	ssyncadd.s32 $0xFFFFA000  }
0x7e: {  	_ =	sfence.sel $0x180000  }
0x7f: {  	[bflag:$0x0] =	sbarrier.arrive $0xFFFF  }
0x80: {  	_ =	strace $0x90000047  }
0x81: {  	s0 =	stileid.u32;
	[bflag:$0x2] =	sbarrier.arrive $0xFFFF  }
0x82: {  	p0 =	sne.s32 s0, $0x0;
	s0 =	rddreg [dreg:$0x3]  }
0x83: {  	s0 =	sadd.s32 @!p0 $0x100000, s0  }
0x84: {  	[sflag:s0] =	ssyncadd.tile.s32 @!p0 $0x1;
	_ =	shalt  }
.Lfunc_end2:
_tile_overlayer_lowered:
.L_overlay_start_2:
0x85: {  	(tag) =	ssettag $0x2  }
0x86: {  	s0 =	rddreg [dreg:$0x0];
	s2 =	stileid.u32  }
0x87: {  	s1 =	rddreg [dreg:$0x1];
	p0 =	sne.s32 s2, $0x0  }
0x88: {  	s3 =	rddreg [dreg:$0x2];
	[bflag:$0x3] =	sbarrier.arrive $0xFFFF;
	s2 =	simm.s32 @!p0 $0x1C05  }
0x89: {  	[timem:s3], [sflag:s2] =	dma.local @!p0 [hbm:s0], s1  }
0x8a: {  	s0 =	simm.s32 @!p0 $0x5  }
0x8b: {  	_ =	swait.ge @!p0 [sflag:s0], s1  }
0x8c: {  	s1 =	ssub.s32 @!p0 $0x0, s1;
	[sflag:s0] =	ssyncset.done @!p0 $0x0  }
0x8d: {  	[sflag:s0] =	ssyncadd.s32 @!p0 s1  }
0x8e: {  	[bflag:$0x3] =	sbarrier.arrive $0xFFFF  }
0x8f: {  	_ =	shalt  }

// kernel: kernel.9.cloned.1.call-start
scs
__scs_entry_jumppad:
0x0: {  	(pc) =	sbr.rel $0x88, $3  }
0x1: {  	(tag) =	ssettag $0x0;
	lr =	simm.s32 $0x1  }
0x2: {  	[smem:$0x3F9C] =	sst lr;
	_ =	strace $0xD0000000  }
0x3: {  	_ = 	snop  }
0x4: {  	_ = 	snop  }
0x5: {  	_ = 	snop  }
0x6: {  	_ = 	snop  }
0x7: {  	_ = 	snop  }
__scs_overlays_trampoline_lowered:
0x8: {  	[smem:$0x3FAB] =	sst s0  }
0x9: {  	[smem:$0x3FAC] =	sst s1  }
0xa: {  	[smem:$0x3FAD] =	sst s2  }
0xb: {  	[smem:$0x3FAE] =	sst s3  }
0xc: {  	[smem:$0x3FAF] =	sst s4  }
0xd: {  	[smem:$0x3FB0] =	sst s5  }
0xe: {  	[smem:$0x3FB1] =	sst s6  }
0xf: {  	[smem:$0x3FB2] =	sst s7  }
0x10: {  	[smem:$0x3FB3] =	sst s8  }
0x11: {  	[smem:$0x3FB4] =	sst s9;
	s0 =	simm.s32 @!p0 $0x0  }
0x12: {  	s1 =	sld [smem:$0x3F9A];
	s0 =	simm.s32 @p0 $0x1  }
0x13: {  	[smem:$0x3FB5] =	sst s0;
	s0 =	simm.s32 @!p1 $0x0  }
0x14: {  	s2 =	sld [smem:$0x3F99];
	s0 =	simm.s32 @p1 $0x1  }
0x15: {  	[smem:$0x3FB6] =	sst s0;
	s0 =	simm.s32 @!p2 $0x0  }
0x16: {  	s3 =	sld [smem:$0x3FDB];
	s0 =	simm.s32 @p2 $0x1  }
0x17: {  	s4 =	simm.s32 $0x1BF5;
	[smem:$0x3FB8] =	sst s0  }
0x18: {  	s0 =	sld [smem:$0x3F9B];
	_ =	swait.ge [sflag:s4], $0x0  }
0x19: {  	s7 =	sld [smem:$0x3F9C]  }
0x1a: {  	s8 =	sadd.s32 $0xFFFFE003, lr  }
0x1b: {  	s9 =	sadd.s32 $0xFFFFFEF7, lr;
	s5 =	simm.s32 $0xFFFFFFFF;
	p2 =	slt.u32 s8, $0xFFFFF086  }
0x1c: {  	p1 =	slt.u32 s9, $0xF7A;
	s5 =	simm.s32 @!p2 $0x0  }
0x1d: {  	s5 =	simm.s32 @p1 $0x1;
	p0 =	seq.s32 s7, s2  }
0x1e: {  	s7 =	smul.u32 @!p0 $0xF7A, s2;
	p2 =	seq.s32 @!p0 s5, $0x0  }
0x1f: {  	s9 =	smul.u32 $0xF7A, s1;
	s8 =	simm.s32 @!p0 $0x1BF5;
	p2 =	por !p2, p0  }
0x20: {  	[sflag:s8] =	ssyncset.s32 @!p0 $0xFFFFF086;
	s6 =	sadd.s32 @!p0 s3, s7;
	s7 =	simm.s32 @!p0 $0x108  }
0x21: {  	s3 =	sadd.s32 s3, s9;
	s6 =	sadd.s32 @!p0 $0x88, s6;
	s7 =	simm.s32 @p2 $0x1082  }
0x22: {  	[simem:s7], [sflag:s8] =	dma.local @!p0 [hbm:s6], $0xF7A  }
0x23: {  	s9 =	sor.u32 $0xD0000000, s2;
	s6 =	simm.s32 $0x108;
	_ =	swait.ge @!p0 [sflag:s8], $0x0  }
0x24: {  	s3 =	sadd.s32 $0x88, s3;
	s6 =	simm.s32 @!p1 $0x1082;
	[sflag:s4] =	ssyncset.s32 $0xFFFFF086  }
0x25: {  	[simem:s6], [sflag:s4] =	dma.local [hbm:s3], $0xF7A  }
0x26: {  	[smem:$0x3F9C] =	sst s1;
	(tag) =	ssettag s2;
	_ =	strace s9  }
0x27: {  	s1 =	sld [smem:$0x3FAC]  }
0x28: {  	s2 =	sld [smem:$0x3FAD]  }
0x29: {  	s4 =	sld [smem:$0x3FAF]  }
0x2a: {  	p0 =	seq.s32 s5, $0x0;
	s5 =	sld [smem:$0x3FB0]  }
0x2b: {  	s6 =	sld [smem:$0x3FB1]  }
0x2c: {  	s7 =	sld [smem:$0x3FB2]  }
0x2d: {  	s3 =	simm.s32 $0x108;
	s8 =	sld [smem:$0x3FB3]  }
0x2e: {  	s3 =	simm.s32 @!p0 $0x1082;
	s9 =	sld [smem:$0x3FB4]  }
0x2f: {  	lr =	sadd.s32 s0, s3;
	s0 =	sld [smem:$0x3FAB]  }
0x30: {  	s3 =	sld [smem:$0x3FAE]  }
0x31: {  	[smem:$0x3FB7] =	sst s10  }
0x32: {  	s10 =	sld [smem:$0x3FB5];
	_ =	sdelay $0x3  }
0x33: {  	p0 =	seq.s32 s10, $0x1;
	s10 =	sld [smem:$0x3FB7];
	_ =	sdelay $0x3  }
0x34: {  	[smem:$0x3FB7] =	sst s10  }
0x35: {  	s10 =	sld [smem:$0x3FB6];
	_ =	sdelay $0x3  }
0x36: {  	p1 =	seq.s32 s10, $0x1;
	s10 =	sld [smem:$0x3FB7];
	_ =	sdelay $0x3  }
0x37: {  	[smem:$0x3FB7] =	sst s10  }
0x38: {  	s10 =	sld [smem:$0x3FB8]  }
0x39: {  	_ = 	snop;
	(pc) =	sbr.ind lr, $3  }
0x3a: {  	_ = 	snop  }
0x3b: {  	_ = 	snop  }
0x3c: {  	p2 =	seq.s32 s10, $0x1;
	s10 =	sld [smem:$0x3FB7]  }
0x3d: {  	_ =	shalt  }
0x3e: {  	_ =	shalt  }
0x3f: {  	_ =	shalt  }
0x40: {  	_ =	shalt  }
0x41: {  	_ =	shalt  }
0x42: {  	_ =	shalt  }
0x43: {  	_ =	shalt  }
0x44: {  	_ =	shalt  }
0x45: {  	_ =	shalt  }
0x46: {  	_ =	shalt  }
0x47: {  	_ =	shalt  }
0x48: {  	_ =	shalt  }
0x49: {  	_ =	shalt  }
0x4a: {  	_ =	shalt  }
0x4b: {  	_ =	shalt  }
0x4c: {  	_ =	shalt  }
0x4d: {  	_ =	shalt  }
0x4e: {  	_ =	shalt  }
0x4f: {  	_ =	shalt  }
0x50: {  	_ =	shalt  }
0x51: {  	_ =	shalt  }
0x52: {  	_ =	shalt  }
0x53: {  	_ =	shalt  }
0x54: {  	_ =	shalt  }
0x55: {  	_ =	shalt  }
0x56: {  	_ =	shalt  }
0x57: {  	_ =	shalt  }
0x58: {  	_ =	shalt  }
0x59: {  	_ =	shalt  }
0x5a: {  	_ =	shalt  }
0x5b: {  	_ =	shalt  }
0x5c: {  	_ =	shalt  }
0x5d: {  	_ =	shalt  }
0x5e: {  	_ =	shalt  }
0x5f: {  	_ =	shalt  }
0x60: {  	_ =	shalt  }
0x61: {  	_ =	shalt  }
0x62: {  	_ =	shalt  }
0x63: {  	_ =	shalt  }
0x64: {  	_ =	shalt  }
0x65: {  	_ =	shalt  }
0x66: {  	_ =	shalt  }
0x67: {  	_ =	shalt  }
0x68: {  	_ =	shalt  }
0x69: {  	_ =	shalt  }
0x6a: {  	_ =	shalt  }
0x6b: {  	_ =	shalt  }
0x6c: {  	_ =	shalt  }
0x6d: {  	_ =	shalt  }
0x6e: {  	_ =	shalt  }
0x6f: {  	_ =	shalt  }
0x70: {  	_ =	shalt  }
0x71: {  	_ =	shalt  }
0x72: {  	_ =	shalt  }
0x73: {  	_ =	shalt  }
0x74: {  	_ =	shalt  }
0x75: {  	_ =	shalt  }
0x76: {  	_ =	shalt  }
0x77: {  	_ =	shalt  }
0x78: {  	_ =	shalt  }
0x79: {  	_ =	shalt  }
0x7a: {  	_ =	shalt  }
0x7b: {  	_ =	shalt  }
0x7c: {  	_ =	shalt  }
0x7d: {  	_ =	shalt  }
0x7e: {  	_ =	shalt  }
0x7f: {  	_ =	shalt  }
0x80: {  	_ =	shalt  }
0x81: {  	_ =	shalt  }
0x82: {  	_ =	shalt  }
0x83: {  	_ =	shalt  }
0x84: {  	_ =	shalt  }
0x85: {  	_ =	shalt  }
0x86: {  	_ =	shalt  }
0x87: {  	_ =	shalt  }
.Lfunc_end0:
.L_simem_size_0:
called_computation.1_lowered:
.L_overlay_start_0:
0x88: {  	s2 =	sld [smem:$0x3FD9]  }
0x89: {  	s3 =	sld [smem:$0x3FFE];
	_ =	sdelay $0x1  }
0x8a: {  	s1 =	srdreg.scid  }
0x8b: {  	s0 =	sand.u32 $0x1, s1  }
0x8c: {  	s17 =	sshll.u32 s0, $0xA;
	s2 =	sadd.s32 s3, s2  }
0x8d: {  	s2 =	sadd.s32 s2, s17  }
0x8e: {  	[smem:$0x3FC3] =	sst s2  }
0x8f: {  	_ = 	snop  }
0x90: {  	s2 =	sld [smem:$0x3FD0];
	(tm) =	ssettm $0x1  }
0x91: {  	s18 =	sld [smem:$0x3FFB];
	_ =	sdelay $0x3  }
0x92: {  	_ =	strace s18  }
0x93: {  	s3 =	sld [smem:$0x3FFC];
	_ =	sdelay $0x3  }
0x94: {  	_ =	strace s3  }
0x95: {  	s3 =	sld [smem:$0x3FFD];
	_ =	sdelay $0x3  }
0x96: {  	_ =	strace s3  }
0x97: {  	_ =	strace $0x8FFFFFFF  }
0x98: {  	s19 =	sld [smem:$0x3FDB];
	_ =	sdelay $0x1  }
0x99: {  	s4 =	simm.s32 $_scs_section_size  }
0x9a: {  	s5 =	simm.s32 $_size__tile_overlayer_lowered;
	s6 =	simm.s32 $_tile_overlayer_lowered  }
0x9b: {  	s22 =	simm.s32 $0x1BFF;
	s21 =	sshll.u32 s6, $0x1;
	s3 =	sadd.s32 s4, s19  }
0x9c: {  	s7 =	simm.s32 $0x0;
	s20 =	sshll.u32 s5, $0x1;
	s5 =	sadd.s32 s21, s3  }
0x9d: {  	[timem:s7], [sflag:s22] =	dma.local [hbm:s5], s20  }
0x9e: {  	_ =	swait.ge [sflag:s22], s20  }
0x9f: {  	s4 =	ssub.s32 $0x0, s20;
	[sflag:s22] =	ssyncset.done $0x0  }
0xa0: {  	[sflag:s22] =	ssyncadd.s32 s4;
	_ =	sdelay $0x1  }
0xa1: {  	s23 =	simm.s32 $0x1B8B  }
0xa2: {  	_ =	swait.ge [sflag:s23], $0x1  }
0xa3: {  	[sflag:s23] =	ssyncset.done $0x0  }
0xa4: {  	s25 =	simm.s32 $0x1B8E;
	s24 =	sld [smem:$0x3FFE];
	[sflag:s23] =	ssyncadd.s32 $0xFFFFFFFF  }
0xa5: {  	s26 =	simm.s32 $execute0_lowered;
	[smem:$0x3FD2] =	sst s25  }
0xa6: {  	s5 =	sshll.u32 s26, $0x1;
	_ =	strace $0x80000049;
	[dreg:$0x1] =	wrdreg $0xFFFFFFFF  }
0xa7: {  	s28 =	simm.s32 $_size_execute0_lowered;
	s3 =	sadd.s32 s3, s5;
	[dreg:$0x0] =	wrdreg $0x0  }
0xa8: {  	s5 =	sshll.u32 s28, $0x1;
	[dreg:$0x2] =	wrdreg s3  }
0xa9: {  	[dreg:$0x3] =	wrdreg s5  }
0xaa: {  	[dreg:$0x4] =	wrdreg $0xC0  }
0xab: {  	_ =	task [dreg:s7], $0x5FFFF  }
0xac: {  	[dreg:$0x1] =	wrdreg $0xFFFFFFFF  }
0xad: {  	[dreg:$0x0] =	wrdreg $0x60  }
0xae: {  	[dreg:$0x2] =	wrdreg s24  }
0xaf: {  	[dreg:$0x3] =	wrdreg s2  }
0xb0: {  	[dreg:$0x4] =	wrdreg $0x9  }
0xb1: {  	_ =	task.clear_ibuf [dreg:s7], $0x5FFFF;
	_ =	strace $0x90000049  }
0xb2: {  	s29 =	simm.s32 $0x9;
	_ =	strace $0x8000004B  }
0xb3: {  	_ =	swait.ge [sflag:s29], $0x1  }
0xb4: {  	[sflag:s29] =	ssyncadd.s32 $0xFFFFFFFF  }
0xb5: {  	_ =	strace $0x9000004B  }
0xb6: {  	_ =	sfence  }
0xb7: {  	s30 =	sld [smem:$0x0];
	_ =	sdelay $0x2  }
0xb8: {  	s31 =	sshll.u32 s1, $0xD;
	s1 =	sshrl.u32 s1, $0x2  }
0xb9: {  	s3 =	sand.u32 $0x4000, s31;
	s1 =	sadd.s32 s1, s30  }
0xba: {  	s0 =	sor.u32 s3, s0;
	s1 =	sshll.u32 s1, $0x11  }
0xbb: {  	s0 =	sor.u32 s1, s0  }
0xbc: {  	s0 =	sadd.s32 $0x8F2B, s0  }
0xbd: {  	[sflag:s0] =	ssyncadd.remote.s32 $0x1  }
0xbe: {  	_ =	sfence.sel $0xFFFF  }
0xbf: {  	[dreg:$0x0] =	wrdreg $0xFFFFFFFF;
	(pc) =	sbr.abs _section_cstart, $3  }
0xc0: {  	[dreg:$0x1] =	wrdreg $0xFFFFFFFF  }
0xc1: {  	_ =	task.clear_ibuf [dreg:s7], $0x2FFFF;
	_ =	strace $0x9FFFFFFF  }
0xc2: {  	(tm) =	ssettm $0x7FFFFFFF  }
0xc3: {  	_ =	shalt  }
tec
execute0_lowered:
.L_overlay_start_1:
0x0: {  	(tag) =	ssettag $0x1  }
0x1: {  	s0 =	rddreg [dreg:$0x0]  }
0x2: {  	s5 =	rddreg [dreg:$0x1];
	s1 =	simm.s32 $0x0;
	s4 =	srdreg.scid  }
0x3: {  	s2 =	stileid.u32;
	s23 =	simm.s32 $0x80;
	s24 =	simm.s32 $0x900  }
0x4: {  	s25 =	simm.s32 $0x1100;
	s26 =	simm.s32 $0x1900;
	s11 =	simm.s32 $0x3100  }
0x5: {  	s12 =	simm.s32 $0x3900;
	s13 =	simm.s32 $0x4100;
	s14 =	simm.s32 $0x4900  }
0x6: {  	s15 =	simm.s32 $0x5100;
	s16 =	simm.s32 $0x5900;
	s17 =	simm.s32 $0x2  }
0x7: {  	s18 =	simm.s32 $0x6100;
	s28 =	simm.s32 $0xA900;
	s29 =	simm.s32 $0xB100  }
0x8: {  	s30 =	simm.s32 $0xB900;
	s31 =	simm.s32 $0x3;
	[smem:$0x7FF] =	sst s1  }
0x9: {  	s3 =	sadd.s32 $0x1000, s0;
	_ =	strace $0x8000004A;
	[dreg:$0x7] =	wrdreg s23  }
0xa: {  	s4 =	sand.u32 $0x1, s4;
	s7 =	sshll.u32 s2, $0x4;
	[dreg:$0x8] =	wrdreg s24  }
0xb: {  	s8 =	sadd.s32 $0xE00, s0;
	s6 =	ssub.s32 $0x2, s4;
	[dreg:$0x9] =	wrdreg s25  }
0xc: {  	s4 =	sshll.u32 s4, $0x3;
	[dreg:$0xa] =	wrdreg s26;
	s23 =	simm.s32 $0x8900  }
0xd: {  	s24 =	simm.s32 $0x9100;
	s25 =	simm.s32 $0x9900;
	s4 =	sor.u32 s4, s7  }
0xe: {  	s26 =	simm.s32 $0xA100;
	s9 =	sshrl.u32 s6, $0x1;
	s7 =	sadd.s32 s8, s4  }
0xf: {  	s10 =	sor.u32 $0x4, s4;
	s4 =	smul.u32 $0x300, s4;
	s6 =	ssub.s32 s6, s9  }
0x10: {  	[dreg:$0x3] =	wrdreg s7;
	s19 =	sadd.s32 s8, s10;
	s20 =	smul.u32 $0x300, s10  }
0x11: {  	s6 =	smax.u32 s6, $0x1;
	s7 =	simm.s32 $0x1;
	s8 =	simm.s32 $0x100  }
0x12: {  	[dreg:$0x4] =	wrdreg s19;
	s21 =	sadd.s32 s5, s4;
	s4 =	sadd.s32 $0x1100, s0  }
0x13: {  	v2 =	vlaneseq.u32;
	s19 =	simm.s32 $0x6900;
	[dreg:$0x5] =	wrdreg s21;
	s22 =	sadd.s32 s5, s20  }
0x14: {  	vm0 =	vmmov $0xffff;
	v1 =	vshrl.u32 v2, $0x3;
	s5 =	sadd.s32 $0x1200, s0;
	s20 =	simm.s32 $0x7100;
	s21 =	simm.s32 $0x7900  }
0x15: {  	v0 =	vand.u32 $0x7, v2;
	v2 =	vor.u32 $0x8, v2;
	v1 =	vmul.u32 $0x8, v1;
	s0 =	simm.s32 $0x4;
	[dreg:$0x6] =	wrdreg s22;
	s22 =	simm.s32 $0x8100  }
.LBB2_1:
0x16: {  	s2 =	rddreg [dreg:$0x3]  }
0x17: {  	s9 =	rddreg [dreg:$0x4]  }
0x18: {  	[tilespmem:s1], [sflag:$0x1] =	stream.linear.gather [hbm4b:s2+s1], $0x20, $0x38;
	[tilespmem:$0xC100] =	vst v63  }
0x19: {  	s10 =	rddreg [dreg:$0x7]  }
0x1a: {  	[tilespmem:s10], [sflag:$0x2] =	stream.linear.gather [hbm4b:s9+s1], $0x20, $0x38;
	[tilespmem:$0xC100] =	vst v63  }
0x1b: {  	_ =	swait.ge [sflag:s7], $0x20  }
0x1c: {  	[sflag:s7] =	ssyncset.done $0x0  }
0x1d: {  	[sflag:s7] =	ssyncadd.s32 $0xFFFFFFE0  }
0x1e: {  	v3 =	vld [tilespmem:$0x0];
	_ =	sdelay $0x4  }
0x1f: {  	v4 =	vshrl.u32 v3, $0x3  }
0x20: {  	v4 =	vmul.u32 $0x30, v4  }
0x21: {  	v3 =	vand.u32 $0x7, v3  }
0x22: {  	v3 =	vor.u32 v3, v4  }
0x23: {  	v4 =	vperm.xlane v3, v0;
	_ =	sdelay $0x1  }
0x24: {  	v4 =	vadd.s32 v1, v4;
	_ =	sdelay $0x3  }
0x25: {  	v3 =	vperm.xlane v3, v2  }
0x26: {  	[tilespmem:s8], [sflag:$0x3] =	stream.indirect_vreg.gather [hbm4b:s3+s1], $0x80, v4, vm0, $0xb8;
	[tilespmem:$0xC100] =	vst v63  }
0x27: {  	s10 =	rddreg [dreg:$0x8];
	v3 =	vadd.s32 v1, v3  }
0x28: {  	[tilespmem:s10], [sflag:$0x3] =	stream.indirect_vreg.gather [hbm4b:s4+s1], $0x80, v4, vm0, $0xb8;
	[tilespmem:$0xC100] =	vst v63  }
0x29: {  	s9 =	rddreg [dreg:$0x9]  }
0x2a: {  	[tilespmem:s9], [sflag:$0x3] =	stream.indirect_vreg.gather [hbm4b:s5+s1], $0x80, v4, vm0, $0xb8;
	[tilespmem:$0xC100] =	vst v63  }
0x2b: {  	s10 =	rddreg [dreg:$0xa]  }
0x2c: {  	[tilespmem:s10], [sflag:$0x3] =	stream.indirect_vreg.gather [hbm4b:s3+s1], $0x80, v3, vm0, $0xb8;
	[tilespmem:$0xC100] =	vst v63  }
0x2d: {  	s9 =	simm.s32 $0x2100  }
0x2e: {  	[tilespmem:s9], [sflag:$0x3] =	stream.indirect_vreg.gather [hbm4b:s4+s1], $0x80, v3, vm0, $0xb8;
	[tilespmem:$0xC100] =	vst v63  }
0x2f: {  	s10 =	simm.s32 $0x2900  }
0x30: {  	[tilespmem:s10], [sflag:$0x3] =	stream.indirect_vreg.gather [hbm4b:s5+s1], $0x80, v3, vm0, $0xb8;
	[tilespmem:$0xC100] =	vst v63  }
0x31: {  	v3 =	vld [tilespmem:$0x10];
	_ =	sdelay $0x4  }
0x32: {  	v61 =	vshrl.u32 v3, $0x3  }
0x33: {  	v4 =	vmul.u32 $0x30, v61  }
0x34: {  	v3 =	vand.u32 $0x7, v3  }
0x35: {  	v3 =	vor.u32 v3, v4  }
0x36: {  	v4 =	vperm.xlane v3, v0;
	_ =	sdelay $0x1  }
0x37: {  	v4 =	vadd.s32 v1, v4;
	_ =	sdelay $0x3  }
0x38: {  	v3 =	vperm.xlane v3, v2  }
0x39: {  	[tilespmem:s11], [sflag:$0x3] =	stream.indirect_vreg.gather [hbm4b:s3+s1], $0x80, v4, vm0, $0xb8;
	[tilespmem:$0xC100] =	vst v63  }
0x3a: {  	v3 =	vadd.s32 v1, v3  }
0x3b: {  	[tilespmem:s12], [sflag:$0x3] =	stream.indirect_vreg.gather [hbm4b:s4+s1], $0x80, v4, vm0, $0xb8;
	[tilespmem:$0xC100] =	vst v63  }
0x3c: {  	_ = 	snop  }
0x3d: {  	[tilespmem:s13], [sflag:$0x3] =	stream.indirect_vreg.gather [hbm4b:s5+s1], $0x80, v4, vm0, $0xb8;
	[tilespmem:$0xC100] =	vst v63  }
0x3e: {  	_ = 	snop  }
0x3f: {  	[tilespmem:s14], [sflag:$0x3] =	stream.indirect_vreg.gather [hbm4b:s3+s1], $0x80, v3, vm0, $0xb8;
	[tilespmem:$0xC100] =	vst v63  }
0x40: {  	_ = 	snop  }
0x41: {  	[tilespmem:s15], [sflag:$0x3] =	stream.indirect_vreg.gather [hbm4b:s4+s1], $0x80, v3, vm0, $0xb8;
	[tilespmem:$0xC100] =	vst v63  }
0x42: {  	_ = 	snop  }
0x43: {  	[tilespmem:s16], [sflag:$0x3] =	stream.indirect_vreg.gather [hbm4b:s5+s1], $0x80, v3, vm0, $0xb8;
	[tilespmem:$0xC100] =	vst v63  }
0x44: {  	_ =	swait.ge [sflag:s17], $0x20  }
0x45: {  	[sflag:s17] =	ssyncset.done $0x0  }
0x46: {  	[sflag:s17] =	ssyncadd.s32 $0xFFFFFFE0  }
0x47: {  	v3 =	vld [tilespmem:$0x80];
	_ =	sdelay $0x4  }
0x48: {  	v62 =	vshrl.u32 v3, $0x3  }
0x49: {  	v4 =	vmul.u32 $0x30, v62  }
0x4a: {  	v3 =	vand.u32 $0x7, v3  }
0x4b: {  	v3 =	vor.u32 v3, v4  }
0x4c: {  	v4 =	vperm.xlane v3, v0;
	_ =	sdelay $0x1  }
0x4d: {  	v4 =	vadd.s32 v1, v4;
	_ =	sdelay $0x3  }
0x4e: {  	v3 =	vperm.xlane v3, v2  }
0x4f: {  	[tilespmem:s18], [sflag:$0x4] =	stream.indirect_vreg.gather [hbm4b:s3+s1], $0x80, v4, vm0, $0xb8;
	[tilespmem:$0xC100] =	vst v63  }
0x50: {  	v3 =	vadd.s32 v1, v3  }
0x51: {  	[tilespmem:s19], [sflag:$0x4] =	stream.indirect_vreg.gather [hbm4b:s4+s1], $0x80, v4, vm0, $0xb8;
	[tilespmem:$0xC100] =	vst v63  }
0x52: {  	_ = 	snop  }
0x53: {  	[tilespmem:s20], [sflag:$0x4] =	stream.indirect_vreg.gather [hbm4b:s5+s1], $0x80, v4, vm0, $0xb8;
	[tilespmem:$0xC100] =	vst v63  }
0x54: {  	_ = 	snop  }
0x55: {  	[tilespmem:s21], [sflag:$0x4] =	stream.indirect_vreg.gather [hbm4b:s3+s1], $0x80, v3, vm0, $0xb8;
	[tilespmem:$0xC100] =	vst v63  }
0x56: {  	_ = 	snop  }
0x57: {  	[tilespmem:s22], [sflag:$0x4] =	stream.indirect_vreg.gather [hbm4b:s4+s1], $0x80, v3, vm0, $0xb8;
	[tilespmem:$0xC100] =	vst v63  }
0x58: {  	_ = 	snop  }
0x59: {  	[tilespmem:s23], [sflag:$0x4] =	stream.indirect_vreg.gather [hbm4b:s5+s1], $0x80, v3, vm0, $0xb8;
	[tilespmem:$0xC100] =	vst v63  }
0x5a: {  	v3 =	vld [tilespmem:$0x90];
	_ =	sdelay $0x4  }
0x5b: {  	v63 =	vshrl.u32 v3, $0x3  }
0x5c: {  	v4 =	vmul.u32 $0x30, v63  }
0x5d: {  	v3 =	vand.u32 $0x7, v3  }
0x5e: {  	v3 =	vor.u32 v3, v4  }
0x5f: {  	v4 =	vperm.xlane v3, v0;
	_ =	sdelay $0x1  }
0x60: {  	v4 =	vadd.s32 v1, v4;
	_ =	sdelay $0x3  }
0x61: {  	v3 =	vperm.xlane v3, v2  }
0x62: {  	[tilespmem:s24], [sflag:$0x4] =	stream.indirect_vreg.gather [hbm4b:s3+s1], $0x80, v4, vm0, $0xb8;
	[tilespmem:$0xC100] =	vst v63  }
0x63: {  	v3 =	vadd.s32 v1, v3  }
0x64: {  	[tilespmem:s25], [sflag:$0x4] =	stream.indirect_vreg.gather [hbm4b:s4+s1], $0x80, v4, vm0, $0xb8;
	[tilespmem:$0xC100] =	vst v63  }
0x65: {  	_ = 	snop  }
0x66: {  	[tilespmem:s26], [sflag:$0x4] =	stream.indirect_vreg.gather [hbm4b:s5+s1], $0x80, v4, vm0, $0xb8;
	[tilespmem:$0xC100] =	vst v63  }
0x67: {  	_ = 	snop  }
0x68: {  	[tilespmem:s28], [sflag:$0x4] =	stream.indirect_vreg.gather [hbm4b:s3+s1], $0x80, v3, vm0, $0xb8;
	[tilespmem:$0xC100] =	vst v63  }
0x69: {  	_ = 	snop  }
0x6a: {  	[tilespmem:s29], [sflag:$0x4] =	stream.indirect_vreg.gather [hbm4b:s4+s1], $0x80, v3, vm0, $0xb8;
	[tilespmem:$0xC100] =	vst v63  }
0x6b: {  	_ = 	snop  }
0x6c: {  	[tilespmem:s30], [sflag:$0x4] =	stream.indirect_vreg.gather [hbm4b:s5+s1], $0x80, v3, vm0, $0xb8;
	[tilespmem:$0xC100] =	vst v63  }
0x6d: {  	_ =	swait.ge [sflag:s31], $0x6000  }
0x6e: {  	[sflag:s31] =	ssyncset.done $0x0  }
0x6f: {  	s9 =	rddreg [dreg:$0x5];
	[sflag:s31] =	ssyncadd.s32 $0xFFFFA000  }
0x70: {  	[hbm4b:s9+s1] =	stream.linear.scatter [tilespmem:s8], [sflag:$0x1], $0x6000, $0x38;
	[tilespmem:$0xC100] =	vst v63  }
0x71: {  	_ =	swait.ge [sflag:s0], $0x6000  }
0x72: {  	[sflag:s0] =	ssyncset.done $0x0  }
0x73: {  	s10 =	rddreg [dreg:$0x6];
	[sflag:s0] =	ssyncadd.s32 $0xFFFFA000  }
0x74: {  	[hbm4b:s10+s1] =	stream.linear.scatter [tilespmem:s18], [sflag:$0x2], $0x6000, $0x38;
	[tilespmem:$0xC100] =	vst v63  }
0x75: {  	p0 =	sne.s32 s6, $0x1;
	_ =	swait.ge [sflag:s7], $0x6000  }
.Ltmp0:
0x76: {  	[sflag:s7] =	ssyncset.done $0x0;
	(pc) =	sbr.rel @p0 .LBB2_1-.Ltmp0, $4  }
0x77: {  	[sflag:s7] =	ssyncadd.s32 $0xFFFFA000  }
0x78: {  	_ =	swait.ge [sflag:s17], $0x6000  }
0x79: {  	[sflag:s17] =	ssyncset.done $0x0  }
0x7a: {  	s6 =	sadd.s32 $0xFFFFFFFF, s6;
	[sflag:s17] =	ssyncadd.s32 $0xFFFFA000  }
0x7b: {  	_ =	sfence.sel $0x180000  }
0x7c: {  	[bflag:$0x0] =	sbarrier.arrive $0xFFFF  }
0x7d: {  	_ =	strace $0x9000004A  }
0x7e: {  	s0 =	stileid.u32;
	[bflag:$0x2] =	sbarrier.arrive $0xFFFF  }
0x7f: {  	p0 =	sne.s32 s0, $0x0;
	s0 =	rddreg [dreg:$0x2]  }
0x80: {  	s0 =	sadd.s32 @!p0 $0x100000, s0  }
0x81: {  	[sflag:s0] =	ssyncadd.tile.s32 @!p0 $0x1;
	_ =	shalt  }
.Lfunc_end2:
_tile_overlayer_lowered:
.L_overlay_start_2:
0x82: {  	(tag) =	ssettag $0x2  }
0x83: {  	s0 =	rddreg [dreg:$0x0];
	s2 =	stileid.u32  }
0x84: {  	s1 =	rddreg [dreg:$0x1];
	p0 =	sne.s32 s2, $0x0  }
0x85: {  	s3 =	rddreg [dreg:$0x2];
	[bflag:$0x3] =	sbarrier.arrive $0xFFFF;
	s2 =	simm.s32 @!p0 $0x1C05  }
0x86: {  	[timem:s3], [sflag:s2] =	dma.local @!p0 [hbm:s0], s1  }
0x87: {  	s0 =	simm.s32 @!p0 $0x5  }
0x88: {  	_ =	swait.ge @!p0 [sflag:s0], s1  }
0x89: {  	s1 =	ssub.s32 @!p0 $0x0, s1;
	[sflag:s0] =	ssyncset.done @!p0 $0x0  }
0x8a: {  	[sflag:s0] =	ssyncadd.s32 @!p0 s1  }
0x8b: {  	[bflag:$0x3] =	sbarrier.arrive $0xFFFF  }
0x8c: {  	_ =	shalt  }

</sc_bundles>
